<compile_context>
chip_gen: v7x
topology: tpu7x:2x2x1
jax: 0.10.2.dev20260603
libtpu: 0.0.44.dev20260713+nightly
codegen_flags: <defaults>
</compile_context>

<pallas_src>
import functools

import jax
import jax.numpy as jnp
from jax import lax
from jax.experimental import pallas as pl
from jax.experimental.pallas import tpu as pltpu
from jax.experimental.pallas import tpu_sc as plsc

FEAT_LEN = 1000000
BATCH = 16384
N_FIELDS = 26

NC = 2
NS = 16
L = 16
NW = NC * NS
BPW = BATCH // NW
CH = 128
NCH = BPW * N_FIELDS // CH

TAB_MAIN = 999424
TAB_TAIL = 1024
TAB_PAD = TAB_MAIN + TAB_TAIL
PART = TAB_MAIN // NS
CHT = PART // 8

_mesh = plsc.VectorSubcoreMesh(core_axis_name="c", subcore_axis_name="s")


@functools.partial(
    pl.kernel,
    out_type=jax.ShapeDtypeStruct((BATCH,), jnp.float32),
    mesh=_mesh,
    compiler_params=pltpu.CompilerParams(needs_layout_passes=False),
    scratch_types=[
        pltpu.VMEM((N_FIELDS * BPW,), jnp.int32),
        pltpu.VMEM((N_FIELDS * BPW,), jnp.float32),
        pltpu.VMEM((BPW,), jnp.float32),
        pltpu.VMEM_SHARED((TAB_PAD,), jnp.float32),
        pltpu.VMEM((CHT,), jnp.float32),
        pltpu.VMEM((CHT,), jnp.float32),
        pltpu.SemaphoreType.DMA,
        pltpu.SemaphoreType.DMA,
    ],
)
def _lookup_sum(idx_hbm, tab2_hbm, out_hbm, idx_v, vals_v, acc_v,
                tab_s, stage_a, stage_b, sem, sem2):
    cid = lax.axis_index("c")
    sid = lax.axis_index("s")
    wid = sid * NC + cid

    def load_idx(f, _):
        pltpu.async_copy(idx_hbm.at[f, pl.ds(wid * BPW, BPW)],
                         idx_v.at[pl.ds(f * BPW, BPW)], sem)
        return _

    lax.fori_loop(0, N_FIELDS, load_idx, 0)

    base = sid * PART
    bufs = (stage_a, stage_b)
    pltpu.async_copy(tab2_hbm.at[0, pl.ds(base, CHT)], bufs[0], sem2)
    for k in range(8):
        b = bufs[k & 1]
        pltpu.make_async_copy(tab2_hbm.at[0, pl.ds(base + k * CHT, CHT)],
                              b, sem2).wait()
        if k < 7:
            pltpu.async_copy(tab2_hbm.at[0, pl.ds(base + (k + 1) * CHT, CHT)],
                             bufs[(k + 1) & 1], sem2)
        pltpu.sync_copy(b, tab_s.at[pl.ds(base + k * CHT, CHT)])

    @pl.when(sid == NS - 1)
    def _tail():
        pltpu.sync_copy(tab2_hbm.at[0, pl.ds(TAB_MAIN, FEAT_LEN - TAB_MAIN)],
                        stage_a.at[pl.ds(0, FEAT_LEN - TAB_MAIN)])
        pltpu.sync_copy(stage_a.at[pl.ds(0, FEAT_LEN - TAB_MAIN)],
                        tab_s.at[pl.ds(TAB_MAIN, FEAT_LEN - TAB_MAIN)])

    pltpu.make_async_copy(idx_hbm.at[0, pl.ds(0, N_FIELDS * BPW)],
                          idx_v, sem).wait()
    plsc.subcore_barrier()

    def fire(f, _):
        pltpu.async_copy(tab_s.at[idx_v.at[pl.ds(f * BPW, BPW)]],
                         vals_v.at[pl.ds(f * BPW, BPW)], sem)
        return _

    lax.fori_loop(0, N_FIELDS, fire, 0)

    pltpu.make_async_copy(tab2_hbm.at[0, pl.ds(0, N_FIELDS * BPW)],
                          vals_v, sem).wait()

    def reduce_chunk(j, _):
        col = j * L
        acc = vals_v[pl.ds(col, L)]
        for f in range(1, N_FIELDS):
            acc = acc + vals_v[pl.ds(f * BPW + col, L)]
        acc_v[pl.ds(col, L)] = acc
        return _

    lax.fori_loop(0, BPW // L, reduce_chunk, 0)

    pltpu.sync_copy(acc_v, out_hbm.at[pl.ds(wid * BPW, BPW)])


def kernel(row_sparse_feat, w):
    out = _lookup_sum(row_sparse_feat.T, w.T)
    return out.reshape(BATCH, 1)

# --- scband reference (transcript-rebuilt; emitter-appended) ---
"""Pipeline reference for scband-linear-88201448391487 (READ-ONLY COPY).

The authoritative reference and input builder live on the scoring server;
editing this copy changes nothing except your own understanding.
"""

import jax, jax.numpy as jnp
import numpy as np

FEAT_LEN = 1000000
BATCH = 16384
N_FIELDS = 26


def setup_inputs(seed: int = 0) -> dict:
    key = jax.random.key(seed)
    k1, k2 = jax.random.split(key)
    row_sparse_feat = jax.random.randint(k1, (BATCH, N_FIELDS), 0, FEAT_LEN, dtype=jnp.int64) if jax.config.jax_enable_x64 else jax.random.randint(k1, (BATCH, N_FIELDS), 0, FEAT_LEN, dtype=jnp.int32)
    w = jax.random.normal(k2, (FEAT_LEN, 1), dtype=jnp.float32)
    return {"row_sparse_feat": row_sparse_feat, "w": w}


def reference(row_sparse_feat, w):
    # tf.nn.embedding_lookup(w, row_sparse_feat) -> [B, n_fields, 1]
    gathered = jnp.take(w, row_sparse_feat, axis=0)
    # reduce_sum over axis=1 (the fields axis) -> [B, 1]
    outputs = jnp.sum(gathered, axis=1)
    return outputs

if __name__ == "__main__":
    import jax
    _d = setup_inputs()
    print(jax.jit(kernel)(*tuple(_d.values())))

</pallas_src>

<mosaic_0001>
#map = affine_map<(d0, d1) -> (0, 0)>
#map1 = affine_map<(d0, d1) -> (0)>
module attributes {stable_mosaic.version = 14 : i64} {
  func.func @_lookup_sum(%arg0: i32, %arg1: i32, %arg2: memref<26x16384xi32, #tpu.memory_space<hbm>>, %arg3: memref<1x1000000xf32, #tpu.memory_space<hbm>>, %arg4: memref<16384xf32, #tpu.memory_space<hbm>>, %arg5: memref<13312xi32, #tpu.memory_space<vmem>>, %arg6: memref<13312xf32, #tpu.memory_space<vmem>>, %arg7: memref<512xf32, #tpu.memory_space<vmem>>, %arg8: memref<1000448xf32, #tpu.memory_space<vmem_shared>>, %arg9: memref<7808xf32, #tpu.memory_space<vmem>>, %arg10: memref<7808xf32, #tpu.memory_space<vmem>>, %arg11: memref<!tpu.dma_semaphore, #tpu.memory_space<semaphore_mem>>, %arg12: memref<!tpu.dma_semaphore, #tpu.memory_space<semaphore_mem>>) attributes {dimension_semantics = [#tpu.dimension_semantics<core_parallel>, #tpu.dimension_semantics<subcore_parallel>], iteration_bounds = array<i64: 2, 16>, scalar_prefetch = 0 : i64, scratch_operands = 8 : i64, tpu.core_type = #tpu.core_type<sc_vector_subcore>, window_params = [{transform_indices = #map}, {transform_indices = #map}, {transform_indices = #map1}]} {
    %mul3A = arith.constant 2 : i32
    %mul3A_0 = arith.muli %arg1, %mul3A : i32
    %add3A = arith.addi %mul3A_0, %arg0 : i32
    %scan3A = arith.constant 0 : i32
    %scan3A_1 = arith.constant 0 : i32
    %scan3A_2 = arith.constant 26 : i32
    %scan3A_3 = arith.addi %scan3A_1, %scan3A_2 : i32
    %scan3A_4 = arith.constant 1 : i32
    scf.for %scan3A_162 = %scan3A_1 to %scan3A_3 step %scan3A_4  : i32 {
      %mul3A_163 = arith.constant 512 : i32
      %mul3A_164 = arith.muli %add3A, %mul3A_163 : i32
      %mul3A_165 = arith.constant 512 : i32
      %mul3A_166 = arith.muli %scan3A_162, %mul3A_165 : i32
      %dma_start3A_167 = tpu.memref_slice %arg5[%mul3A_166] : memref<13312xi32, #tpu.memory_space<vmem>> -> memref<512xi32, #tpu.memory_space<vmem>>
      %dma_start3A_168 = tpu.memref_slice %arg2[%scan3A_162, %mul3A_164] : memref<26x16384xi32, #tpu.memory_space<hbm>> -> memref<1x512xi32, #tpu.memory_space<hbm>>
      %dma_start3A_169 = tpu.memref_squeeze %dma_start3A_168 : memref<1x512xi32, #tpu.memory_space<hbm>> -> memref<512xi32, #tpu.memory_space<hbm>>
      %dma_start3A_170 = tpu.memref_slice %arg5[%mul3A_166] : memref<13312xi32, #tpu.memory_space<vmem>> -> memref<512xi32, #tpu.memory_space<vmem>>
      %dma_start3A_171 = tpu.memref_slice %arg2[%scan3A_162, %mul3A_164] : memref<26x16384xi32, #tpu.memory_space<hbm>> -> memref<1x512xi32, #tpu.memory_space<hbm>>
      %dma_start3A_172 = tpu.memref_squeeze %dma_start3A_171 : memref<1x512xi32, #tpu.memory_space<hbm>> -> memref<512xi32, #tpu.memory_space<hbm>>
      tpu.enqueue_dma source(%dma_start3A_172 : memref<512xi32, #tpu.memory_space<hbm>>) target(%dma_start3A_170 : memref<512xi32, #tpu.memory_space<vmem>>) target_semaphore(%arg11 : memref<!tpu.dma_semaphore, #tpu.memory_space<semaphore_mem>>)
    }
    %scan3A_5 = arith.constant 26 : i32
    %mul3A_6 = arith.constant 62464 : i32
    %mul3A_7 = arith.muli %arg1, %mul3A_6 : i32
    %dma_start3A = arith.constant 0 : i32
    %dma_start3A_8 = tpu.memref_slice %arg3[%dma_start3A, %mul3A_7] : memref<1x1000000xf32, #tpu.memory_space<hbm>> -> memref<1x7808xf32, #tpu.memory_space<hbm>>
    %dma_start3A_9 = tpu.memref_squeeze %dma_start3A_8 : memref<1x7808xf32, #tpu.memory_space<hbm>> -> memref<7808xf32, #tpu.memory_space<hbm>>
    %dma_start3A_10 = tpu.memref_slice %arg3[%dma_start3A, %mul3A_7] : memref<1x1000000xf32, #tpu.memory_space<hbm>> -> memref<1x7808xf32, #tpu.memory_space<hbm>>
    %dma_start3A_11 = tpu.memref_squeeze %dma_start3A_10 : memref<1x7808xf32, #tpu.memory_space<hbm>> -> memref<7808xf32, #tpu.memory_space<hbm>>
    tpu.enqueue_dma source(%dma_start3A_11 : memref<7808xf32, #tpu.memory_space<hbm>>) target(%arg9 : memref<7808xf32, #tpu.memory_space<vmem>>) target_semaphore(%arg12 : memref<!tpu.dma_semaphore, #tpu.memory_space<semaphore_mem>>)
    %add3A_12 = arith.constant 0 : i32
    %add3A_13 = arith.addi %mul3A_7, %add3A_12 : i32
    %dma_wait3A = arith.constant 0 : i32
    %dma_wait3A_14 = tpu.memref_slice %arg3[%dma_wait3A, %add3A_13] : memref<1x1000000xf32, #tpu.memory_space<hbm>> -> memref<1x7808xf32, #tpu.memory_space<hbm>>
    %dma_wait3A_15 = tpu.memref_squeeze %dma_wait3A_14 : memref<1x7808xf32, #tpu.memory_space<hbm>> -> memref<7808xf32, #tpu.memory_space<hbm>>
    %dma_wait3A_16 = tpu.memref_slice %arg3[%dma_wait3A, %add3A_13] : memref<1x1000000xf32, #tpu.memory_space<hbm>> -> memref<1x7808xf32, #tpu.memory_space<hbm>>
    %dma_wait3A_17 = tpu.memref_squeeze %dma_wait3A_16 : memref<1x7808xf32, #tpu.memory_space<hbm>> -> memref<7808xf32, #tpu.memory_space<hbm>>
    tpu.wait_dma2 semaphore(%arg12 : memref<!tpu.dma_semaphore, #tpu.memory_space<semaphore_mem>>) src(%dma_wait3A_17 : memref<7808xf32, #tpu.memory_space<hbm>>) dst(%arg9 : memref<7808xf32, #tpu.memory_space<vmem>>)
    %add3A_18 = arith.constant 7808 : i32
    %add3A_19 = arith.addi %mul3A_7, %add3A_18 : i32
    %dma_start3A_20 = arith.constant 0 : i32
    %dma_start3A_21 = tpu.memref_slice %arg3[%dma_start3A_20, %add3A_19] : memref<1x1000000xf32, #tpu.memory_space<hbm>> -> memref<1x7808xf32, #tpu.memory_space<hbm>>
    %dma_start3A_22 = tpu.memref_squeeze %dma_start3A_21 : memref<1x7808xf32, #tpu.memory_space<hbm>> -> memref<7808xf32, #tpu.memory_space<hbm>>
    %dma_start3A_23 = tpu.memref_slice %arg3[%dma_start3A_20, %add3A_19] : memref<1x1000000xf32, #tpu.memory_space<hbm>> -> memref<1x7808xf32, #tpu.memory_space<hbm>>
    %dma_start3A_24 = tpu.memref_squeeze %dma_start3A_23 : memref<1x7808xf32, #tpu.memory_space<hbm>> -> memref<7808xf32, #tpu.memory_space<hbm>>
    tpu.enqueue_dma source(%dma_start3A_24 : memref<7808xf32, #tpu.memory_space<hbm>>) target(%arg10 : memref<7808xf32, #tpu.memory_space<vmem>>) target_semaphore(%arg12 : memref<!tpu.dma_semaphore, #tpu.memory_space<semaphore_mem>>)
    %add3A_25 = arith.constant 0 : i32
    %add3A_26 = arith.addi %mul3A_7, %add3A_25 : i32
    "tpu.region"() ({
      %run_scoped3A = tpu.sem_alloc : memref<!tpu.dma_semaphore, #tpu.memory_space<semaphore_mem>>
      %dma_start3A_162 = tpu.memref_slice %arg8[%add3A_26] : memref<1000448xf32, #tpu.memory_space<vmem_shared>> -> memref<7808xf32, #tpu.memory_space<vmem_shared>>
      %dma_start3A_163 = tpu.memref_slice %arg8[%add3A_26] : memref<1000448xf32, #tpu.memory_space<vmem_shared>> -> memref<7808xf32, #tpu.memory_space<vmem_shared>>
      tpu.enqueue_dma source(%arg9 : memref<7808xf32, #tpu.memory_space<vmem>>) target(%dma_start3A_163 : memref<7808xf32, #tpu.memory_space<vmem_shared>>) target_semaphore(%run_scoped3A : memref<!tpu.dma_semaphore, #tpu.memory_space<semaphore_mem>>)
      %dma_wait3A_164 = tpu.memref_slice %arg8[%add3A_26] : memref<1000448xf32, #tpu.memory_space<vmem_shared>> -> memref<7808xf32, #tpu.memory_space<vmem_shared>>
      %dma_wait3A_165 = tpu.memref_slice %arg8[%add3A_26] : memref<1000448xf32, #tpu.memory_space<vmem_shared>> -> memref<7808xf32, #tpu.memory_space<vmem_shared>>
      tpu.wait_dma2 semaphore(%run_scoped3A : memref<!tpu.dma_semaphore, #tpu.memory_space<semaphore_mem>>) src(%arg9 : memref<7808xf32, #tpu.memory_space<vmem>>) dst(%dma_wait3A_165 : memref<7808xf32, #tpu.memory_space<vmem_shared>>)
      tpu.yield
    }) : () -> ()
    %add3A_27 = arith.constant 7808 : i32
    %add3A_28 = arith.addi %mul3A_7, %add3A_27 : i32
    %dma_wait3A_29 = arith.constant 0 : i32
    %dma_wait3A_30 = tpu.memref_slice %arg3[%dma_wait3A_29, %add3A_28] : memref<1x1000000xf32, #tpu.memory_space<hbm>> -> memref<1x7808xf32, #tpu.memory_space<hbm>>
    %dma_wait3A_31 = tpu.memref_squeeze %dma_wait3A_30 : memref<1x7808xf32, #tpu.memory_space<hbm>> -> memref<7808xf32, #tpu.memory_space<hbm>>
    %dma_wait3A_32 = tpu.memref_slice %arg3[%dma_wait3A_29, %add3A_28] : memref<1x1000000xf32, #tpu.memory_space<hbm>> -> memref<1x7808xf32, #tpu.memory_space<hbm>>
    %dma_wait3A_33 = tpu.memref_squeeze %dma_wait3A_32 : memref<1x7808xf32, #tpu.memory_space<hbm>> -> memref<7808xf32, #tpu.memory_space<hbm>>
    tpu.wait_dma2 semaphore(%arg12 : memref<!tpu.dma_semaphore, #tpu.memory_space<semaphore_mem>>) src(%dma_wait3A_33 : memref<7808xf32, #tpu.memory_space<hbm>>) dst(%arg10 : memref<7808xf32, #tpu.memory_space<vmem>>)
    %add3A_34 = arith.constant 15616 : i32
    %add3A_35 = arith.addi %mul3A_7, %add3A_34 : i32
    %dma_start3A_36 = arith.constant 0 : i32
    %dma_start3A_37 = tpu.memref_slice %arg3[%dma_start3A_36, %add3A_35] : memref<1x1000000xf32, #tpu.memory_space<hbm>> -> memref<1x7808xf32, #tpu.memory_space<hbm>>
    %dma_start3A_38 = tpu.memref_squeeze %dma_start3A_37 : memref<1x7808xf32, #tpu.memory_space<hbm>> -> memref<7808xf32, #tpu.memory_space<hbm>>
    %dma_start3A_39 = tpu.memref_slice %arg3[%dma_start3A_36, %add3A_35] : memref<1x1000000xf32, #tpu.memory_space<hbm>> -> memref<1x7808xf32, #tpu.memory_space<hbm>>
    %dma_start3A_40 = tpu.memref_squeeze %dma_start3A_39 : memref<1x7808xf32, #tpu.memory_space<hbm>> -> memref<7808xf32, #tpu.memory_space<hbm>>
    tpu.enqueue_dma source(%dma_start3A_40 : memref<7808xf32, #tpu.memory_space<hbm>>) target(%arg9 : memref<7808xf32, #tpu.memory_space<vmem>>) target_semaphore(%arg12 : memref<!tpu.dma_semaphore, #tpu.memory_space<semaphore_mem>>)
    %add3A_41 = arith.constant 7808 : i32
    %add3A_42 = arith.addi %mul3A_7, %add3A_41 : i32
    "tpu.region"() ({
      %run_scoped3A = tpu.sem_alloc : memref<!tpu.dma_semaphore, #tpu.memory_space<semaphore_mem>>
      %dma_start3A_162 = tpu.memref_slice %arg8[%add3A_42] : memref<1000448xf32, #tpu.memory_space<vmem_shared>> -> memref<7808xf32, #tpu.memory_space<vmem_shared>>
      %dma_start3A_163 = tpu.memref_slice %arg8[%add3A_42] : memref<1000448xf32, #tpu.memory_space<vmem_shared>> -> memref<7808xf32, #tpu.memory_space<vmem_shared>>
      tpu.enqueue_dma source(%arg10 : memref<7808xf32, #tpu.memory_space<vmem>>) target(%dma_start3A_163 : memref<7808xf32, #tpu.memory_space<vmem_shared>>) target_semaphore(%run_scoped3A : memref<!tpu.dma_semaphore, #tpu.memory_space<semaphore_mem>>)
      %dma_wait3A_164 = tpu.memref_slice %arg8[%add3A_42] : memref<1000448xf32, #tpu.memory_space<vmem_shared>> -> memref<7808xf32, #tpu.memory_space<vmem_shared>>
      %dma_wait3A_165 = tpu.memref_slice %arg8[%add3A_42] : memref<1000448xf32, #tpu.memory_space<vmem_shared>> -> memref<7808xf32, #tpu.memory_space<vmem_shared>>
      tpu.wait_dma2 semaphore(%run_scoped3A : memref<!tpu.dma_semaphore, #tpu.memory_space<semaphore_mem>>) src(%arg10 : memref<7808xf32, #tpu.memory_space<vmem>>) dst(%dma_wait3A_165 : memref<7808xf32, #tpu.memory_space<vmem_shared>>)
      tpu.yield
    }) : () -> ()
    %add3A_43 = arith.constant 15616 : i32
    %add3A_44 = arith.addi %mul3A_7, %add3A_43 : i32
    %dma_wait3A_45 = arith.constant 0 : i32
    %dma_wait3A_46 = tpu.memref_slice %arg3[%dma_wait3A_45, %add3A_44] : memref<1x1000000xf32, #tpu.memory_space<hbm>> -> memref<1x7808xf32, #tpu.memory_space<hbm>>
    %dma_wait3A_47 = tpu.memref_squeeze %dma_wait3A_46 : memref<1x7808xf32, #tpu.memory_space<hbm>> -> memref<7808xf32, #tpu.memory_space<hbm>>
    %dma_wait3A_48 = tpu.memref_slice %arg3[%dma_wait3A_45, %add3A_44] : memref<1x1000000xf32, #tpu.memory_space<hbm>> -> memref<1x7808xf32, #tpu.memory_space<hbm>>
    %dma_wait3A_49 = tpu.memref_squeeze %dma_wait3A_48 : memref<1x7808xf32, #tpu.memory_space<hbm>> -> memref<7808xf32, #tpu.memory_space<hbm>>
    tpu.wait_dma2 semaphore(%arg12 : memref<!tpu.dma_semaphore, #tpu.memory_space<semaphore_mem>>) src(%dma_wait3A_49 : memref<7808xf32, #tpu.memory_space<hbm>>) dst(%arg9 : memref<7808xf32, #tpu.memory_space<vmem>>)
    %add3A_50 = arith.constant 23424 : i32
    %add3A_51 = arith.addi %mul3A_7, %add3A_50 : i32
    %dma_start3A_52 = arith.constant 0 : i32
    %dma_start3A_53 = tpu.memref_slice %arg3[%dma_start3A_52, %add3A_51] : memref<1x1000000xf32, #tpu.memory_space<hbm>> -> memref<1x7808xf32, #tpu.memory_space<hbm>>
    %dma_start3A_54 = tpu.memref_squeeze %dma_start3A_53 : memref<1x7808xf32, #tpu.memory_space<hbm>> -> memref<7808xf32, #tpu.memory_space<hbm>>
    %dma_start3A_55 = tpu.memref_slice %arg3[%dma_start3A_52, %add3A_51] : memref<1x1000000xf32, #tpu.memory_space<hbm>> -> memref<1x7808xf32, #tpu.memory_space<hbm>>
    %dma_start3A_56 = tpu.memref_squeeze %dma_start3A_55 : memref<1x7808xf32, #tpu.memory_space<hbm>> -> memref<7808xf32, #tpu.memory_space<hbm>>
    tpu.enqueue_dma source(%dma_start3A_56 : memref<7808xf32, #tpu.memory_space<hbm>>) target(%arg10 : memref<7808xf32, #tpu.memory_space<vmem>>) target_semaphore(%arg12 : memref<!tpu.dma_semaphore, #tpu.memory_space<semaphore_mem>>)
    %add3A_57 = arith.constant 15616 : i32
    %add3A_58 = arith.addi %mul3A_7, %add3A_57 : i32
    "tpu.region"() ({
      %run_scoped3A = tpu.sem_alloc : memref<!tpu.dma_semaphore, #tpu.memory_space<semaphore_mem>>
      %dma_start3A_162 = tpu.memref_slice %arg8[%add3A_58] : memref<1000448xf32, #tpu.memory_space<vmem_shared>> -> memref<7808xf32, #tpu.memory_space<vmem_shared>>
      %dma_start3A_163 = tpu.memref_slice %arg8[%add3A_58] : memref<1000448xf32, #tpu.memory_space<vmem_shared>> -> memref<7808xf32, #tpu.memory_space<vmem_shared>>
      tpu.enqueue_dma source(%arg9 : memref<7808xf32, #tpu.memory_space<vmem>>) target(%dma_start3A_163 : memref<7808xf32, #tpu.memory_space<vmem_shared>>) target_semaphore(%run_scoped3A : memref<!tpu.dma_semaphore, #tpu.memory_space<semaphore_mem>>)
      %dma_wait3A_164 = tpu.memref_slice %arg8[%add3A_58] : memref<1000448xf32, #tpu.memory_space<vmem_shared>> -> memref<7808xf32, #tpu.memory_space<vmem_shared>>
      %dma_wait3A_165 = tpu.memref_slice %arg8[%add3A_58] : memref<1000448xf32, #tpu.memory_space<vmem_shared>> -> memref<7808xf32, #tpu.memory_space<vmem_shared>>
      tpu.wait_dma2 semaphore(%run_scoped3A : memref<!tpu.dma_semaphore, #tpu.memory_space<semaphore_mem>>) src(%arg9 : memref<7808xf32, #tpu.memory_space<vmem>>) dst(%dma_wait3A_165 : memref<7808xf32, #tpu.memory_space<vmem_shared>>)
      tpu.yield
    }) : () -> ()
    %add3A_59 = arith.constant 23424 : i32
    %add3A_60 = arith.addi %mul3A_7, %add3A_59 : i32
    %dma_wait3A_61 = arith.constant 0 : i32
    %dma_wait3A_62 = tpu.memref_slice %arg3[%dma_wait3A_61, %add3A_60] : memref<1x1000000xf32, #tpu.memory_space<hbm>> -> memref<1x7808xf32, #tpu.memory_space<hbm>>
    %dma_wait3A_63 = tpu.memref_squeeze %dma_wait3A_62 : memref<1x7808xf32, #tpu.memory_space<hbm>> -> memref<7808xf32, #tpu.memory_space<hbm>>
    %dma_wait3A_64 = tpu.memref_slice %arg3[%dma_wait3A_61, %add3A_60] : memref<1x1000000xf32, #tpu.memory_space<hbm>> -> memref<1x7808xf32, #tpu.memory_space<hbm>>
    %dma_wait3A_65 = tpu.memref_squeeze %dma_wait3A_64 : memref<1x7808xf32, #tpu.memory_space<hbm>> -> memref<7808xf32, #tpu.memory_space<hbm>>
    tpu.wait_dma2 semaphore(%arg12 : memref<!tpu.dma_semaphore, #tpu.memory_space<semaphore_mem>>) src(%dma_wait3A_65 : memref<7808xf32, #tpu.memory_space<hbm>>) dst(%arg10 : memref<7808xf32, #tpu.memory_space<vmem>>)
    %add3A_66 = arith.constant 31232 : i32
    %add3A_67 = arith.addi %mul3A_7, %add3A_66 : i32
    %dma_start3A_68 = arith.constant 0 : i32
    %dma_start3A_69 = tpu.memref_slice %arg3[%dma_start3A_68, %add3A_67] : memref<1x1000000xf32, #tpu.memory_space<hbm>> -> memref<1x7808xf32, #tpu.memory_space<hbm>>
    %dma_start3A_70 = tpu.memref_squeeze %dma_start3A_69 : memref<1x7808xf32, #tpu.memory_space<hbm>> -> memref<7808xf32, #tpu.memory_space<hbm>>
    %dma_start3A_71 = tpu.memref_slice %arg3[%dma_start3A_68, %add3A_67] : memref<1x1000000xf32, #tpu.memory_space<hbm>> -> memref<1x7808xf32, #tpu.memory_space<hbm>>
    %dma_start3A_72 = tpu.memref_squeeze %dma_start3A_71 : memref<1x7808xf32, #tpu.memory_space<hbm>> -> memref<7808xf32, #tpu.memory_space<hbm>>
    tpu.enqueue_dma source(%dma_start3A_72 : memref<7808xf32, #tpu.memory_space<hbm>>) target(%arg9 : memref<7808xf32, #tpu.memory_space<vmem>>) target_semaphore(%arg12 : memref<!tpu.dma_semaphore, #tpu.memory_space<semaphore_mem>>)
    %add3A_73 = arith.constant 23424 : i32
    %add3A_74 = arith.addi %mul3A_7, %add3A_73 : i32
    "tpu.region"() ({
      %run_scoped3A = tpu.sem_alloc : memref<!tpu.dma_semaphore, #tpu.memory_space<semaphore_mem>>
      %dma_start3A_162 = tpu.memref_slice %arg8[%add3A_74] : memref<1000448xf32, #tpu.memory_space<vmem_shared>> -> memref<7808xf32, #tpu.memory_space<vmem_shared>>
      %dma_start3A_163 = tpu.memref_slice %arg8[%add3A_74] : memref<1000448xf32, #tpu.memory_space<vmem_shared>> -> memref<7808xf32, #tpu.memory_space<vmem_shared>>
      tpu.enqueue_dma source(%arg10 : memref<7808xf32, #tpu.memory_space<vmem>>) target(%dma_start3A_163 : memref<7808xf32, #tpu.memory_space<vmem_shared>>) target_semaphore(%run_scoped3A : memref<!tpu.dma_semaphore, #tpu.memory_space<semaphore_mem>>)
      %dma_wait3A_164 = tpu.memref_slice %arg8[%add3A_74] : memref<1000448xf32, #tpu.memory_space<vmem_shared>> -> memref<7808xf32, #tpu.memory_space<vmem_shared>>
      %dma_wait3A_165 = tpu.memref_slice %arg8[%add3A_74] : memref<1000448xf32, #tpu.memory_space<vmem_shared>> -> memref<7808xf32, #tpu.memory_space<vmem_shared>>
      tpu.wait_dma2 semaphore(%run_scoped3A : memref<!tpu.dma_semaphore, #tpu.memory_space<semaphore_mem>>) src(%arg10 : memref<7808xf32, #tpu.memory_space<vmem>>) dst(%dma_wait3A_165 : memref<7808xf32, #tpu.memory_space<vmem_shared>>)
      tpu.yield
    }) : () -> ()
    %add3A_75 = arith.constant 31232 : i32
    %add3A_76 = arith.addi %mul3A_7, %add3A_75 : i32
    %dma_wait3A_77 = arith.constant 0 : i32
    %dma_wait3A_78 = tpu.memref_slice %arg3[%dma_wait3A_77, %add3A_76] : memref<1x1000000xf32, #tpu.memory_space<hbm>> -> memref<1x7808xf32, #tpu.memory_space<hbm>>
    %dma_wait3A_79 = tpu.memref_squeeze %dma_wait3A_78 : memref<1x7808xf32, #tpu.memory_space<hbm>> -> memref<7808xf32, #tpu.memory_space<hbm>>
    %dma_wait3A_80 = tpu.memref_slice %arg3[%dma_wait3A_77, %add3A_76] : memref<1x1000000xf32, #tpu.memory_space<hbm>> -> memref<1x7808xf32, #tpu.memory_space<hbm>>
    %dma_wait3A_81 = tpu.memref_squeeze %dma_wait3A_80 : memref<1x7808xf32, #tpu.memory_space<hbm>> -> memref<7808xf32, #tpu.memory_space<hbm>>
    tpu.wait_dma2 semaphore(%arg12 : memref<!tpu.dma_semaphore, #tpu.memory_space<semaphore_mem>>) src(%dma_wait3A_81 : memref<7808xf32, #tpu.memory_space<hbm>>) dst(%arg9 : memref<7808xf32, #tpu.memory_space<vmem>>)
    %add3A_82 = arith.constant 39040 : i32
    %add3A_83 = arith.addi %mul3A_7, %add3A_82 : i32
    %dma_start3A_84 = arith.constant 0 : i32
    %dma_start3A_85 = tpu.memref_slice %arg3[%dma_start3A_84, %add3A_83] : memref<1x1000000xf32, #tpu.memory_space<hbm>> -> memref<1x7808xf32, #tpu.memory_space<hbm>>
    %dma_start3A_86 = tpu.memref_squeeze %dma_start3A_85 : memref<1x7808xf32, #tpu.memory_space<hbm>> -> memref<7808xf32, #tpu.memory_space<hbm>>
    %dma_start3A_87 = tpu.memref_slice %arg3[%dma_start3A_84, %add3A_83] : memref<1x1000000xf32, #tpu.memory_space<hbm>> -> memref<1x7808xf32, #tpu.memory_space<hbm>>
    %dma_start3A_88 = tpu.memref_squeeze %dma_start3A_87 : memref<1x7808xf32, #tpu.memory_space<hbm>> -> memref<7808xf32, #tpu.memory_space<hbm>>
    tpu.enqueue_dma source(%dma_start3A_88 : memref<7808xf32, #tpu.memory_space<hbm>>) target(%arg10 : memref<7808xf32, #tpu.memory_space<vmem>>) target_semaphore(%arg12 : memref<!tpu.dma_semaphore, #tpu.memory_space<semaphore_mem>>)
    %add3A_89 = arith.constant 31232 : i32
    %add3A_90 = arith.addi %mul3A_7, %add3A_89 : i32
    "tpu.region"() ({
      %run_scoped3A = tpu.sem_alloc : memref<!tpu.dma_semaphore, #tpu.memory_space<semaphore_mem>>
      %dma_start3A_162 = tpu.memref_slice %arg8[%add3A_90] : memref<1000448xf32, #tpu.memory_space<vmem_shared>> -> memref<7808xf32, #tpu.memory_space<vmem_shared>>
      %dma_start3A_163 = tpu.memref_slice %arg8[%add3A_90] : memref<1000448xf32, #tpu.memory_space<vmem_shared>> -> memref<7808xf32, #tpu.memory_space<vmem_shared>>
      tpu.enqueue_dma source(%arg9 : memref<7808xf32, #tpu.memory_space<vmem>>) target(%dma_start3A_163 : memref<7808xf32, #tpu.memory_space<vmem_shared>>) target_semaphore(%run_scoped3A : memref<!tpu.dma_semaphore, #tpu.memory_space<semaphore_mem>>)
      %dma_wait3A_164 = tpu.memref_slice %arg8[%add3A_90] : memref<1000448xf32, #tpu.memory_space<vmem_shared>> -> memref<7808xf32, #tpu.memory_space<vmem_shared>>
      %dma_wait3A_165 = tpu.memref_slice %arg8[%add3A_90] : memref<1000448xf32, #tpu.memory_space<vmem_shared>> -> memref<7808xf32, #tpu.memory_space<vmem_shared>>
      tpu.wait_dma2 semaphore(%run_scoped3A : memref<!tpu.dma_semaphore, #tpu.memory_space<semaphore_mem>>) src(%arg9 : memref<7808xf32, #tpu.memory_space<vmem>>) dst(%dma_wait3A_165 : memref<7808xf32, #tpu.memory_space<vmem_shared>>)
      tpu.yield
    }) : () -> ()
    %add3A_91 = arith.constant 39040 : i32
    %add3A_92 = arith.addi %mul3A_7, %add3A_91 : i32
    %dma_wait3A_93 = arith.constant 0 : i32
    %dma_wait3A_94 = tpu.memref_slice %arg3[%dma_wait3A_93, %add3A_92] : memref<1x1000000xf32, #tpu.memory_space<hbm>> -> memref<1x7808xf32, #tpu.memory_space<hbm>>
    %dma_wait3A_95 = tpu.memref_squeeze %dma_wait3A_94 : memref<1x7808xf32, #tpu.memory_space<hbm>> -> memref<7808xf32, #tpu.memory_space<hbm>>
    %dma_wait3A_96 = tpu.memref_slice %arg3[%dma_wait3A_93, %add3A_92] : memref<1x1000000xf32, #tpu.memory_space<hbm>> -> memref<1x7808xf32, #tpu.memory_space<hbm>>
    %dma_wait3A_97 = tpu.memref_squeeze %dma_wait3A_96 : memref<1x7808xf32, #tpu.memory_space<hbm>> -> memref<7808xf32, #tpu.memory_space<hbm>>
    tpu.wait_dma2 semaphore(%arg12 : memref<!tpu.dma_semaphore, #tpu.memory_space<semaphore_mem>>) src(%dma_wait3A_97 : memref<7808xf32, #tpu.memory_space<hbm>>) dst(%arg10 : memref<7808xf32, #tpu.memory_space<vmem>>)
    %add3A_98 = arith.constant 46848 : i32
    %add3A_99 = arith.addi %mul3A_7, %add3A_98 : i32
    %dma_start3A_100 = arith.constant 0 : i32
    %dma_start3A_101 = tpu.memref_slice %arg3[%dma_start3A_100, %add3A_99] : memref<1x1000000xf32, #tpu.memory_space<hbm>> -> memref<1x7808xf32, #tpu.memory_space<hbm>>
    %dma_start3A_102 = tpu.memref_squeeze %dma_start3A_101 : memref<1x7808xf32, #tpu.memory_space<hbm>> -> memref<7808xf32, #tpu.memory_space<hbm>>
    %dma_start3A_103 = tpu.memref_slice %arg3[%dma_start3A_100, %add3A_99] : memref<1x1000000xf32, #tpu.memory_space<hbm>> -> memref<1x7808xf32, #tpu.memory_space<hbm>>
    %dma_start3A_104 = tpu.memref_squeeze %dma_start3A_103 : memref<1x7808xf32, #tpu.memory_space<hbm>> -> memref<7808xf32, #tpu.memory_space<hbm>>
    tpu.enqueue_dma source(%dma_start3A_104 : memref<7808xf32, #tpu.memory_space<hbm>>) target(%arg9 : memref<7808xf32, #tpu.memory_space<vmem>>) target_semaphore(%arg12 : memref<!tpu.dma_semaphore, #tpu.memory_space<semaphore_mem>>)
    %add3A_105 = arith.constant 39040 : i32
    %add3A_106 = arith.addi %mul3A_7, %add3A_105 : i32
    "tpu.region"() ({
      %run_scoped3A = tpu.sem_alloc : memref<!tpu.dma_semaphore, #tpu.memory_space<semaphore_mem>>
      %dma_start3A_162 = tpu.memref_slice %arg8[%add3A_106] : memref<1000448xf32, #tpu.memory_space<vmem_shared>> -> memref<7808xf32, #tpu.memory_space<vmem_shared>>
      %dma_start3A_163 = tpu.memref_slice %arg8[%add3A_106] : memref<1000448xf32, #tpu.memory_space<vmem_shared>> -> memref<7808xf32, #tpu.memory_space<vmem_shared>>
      tpu.enqueue_dma source(%arg10 : memref<7808xf32, #tpu.memory_space<vmem>>) target(%dma_start3A_163 : memref<7808xf32, #tpu.memory_space<vmem_shared>>) target_semaphore(%run_scoped3A : memref<!tpu.dma_semaphore, #tpu.memory_space<semaphore_mem>>)
      %dma_wait3A_164 = tpu.memref_slice %arg8[%add3A_106] : memref<1000448xf32, #tpu.memory_space<vmem_shared>> -> memref<7808xf32, #tpu.memory_space<vmem_shared>>
      %dma_wait3A_165 = tpu.memref_slice %arg8[%add3A_106] : memref<1000448xf32, #tpu.memory_space<vmem_shared>> -> memref<7808xf32, #tpu.memory_space<vmem_shared>>
      tpu.wait_dma2 semaphore(%run_scoped3A : memref<!tpu.dma_semaphore, #tpu.memory_space<semaphore_mem>>) src(%arg10 : memref<7808xf32, #tpu.memory_space<vmem>>) dst(%dma_wait3A_165 : memref<7808xf32, #tpu.memory_space<vmem_shared>>)
      tpu.yield
    }) : () -> ()
    %add3A_107 = arith.constant 46848 : i32
    %add3A_108 = arith.addi %mul3A_7, %add3A_107 : i32
    %dma_wait3A_109 = arith.constant 0 : i32
    %dma_wait3A_110 = tpu.memref_slice %arg3[%dma_wait3A_109, %add3A_108] : memref<1x1000000xf32, #tpu.memory_space<hbm>> -> memref<1x7808xf32, #tpu.memory_space<hbm>>
    %dma_wait3A_111 = tpu.memref_squeeze %dma_wait3A_110 : memref<1x7808xf32, #tpu.memory_space<hbm>> -> memref<7808xf32, #tpu.memory_space<hbm>>
    %dma_wait3A_112 = tpu.memref_slice %arg3[%dma_wait3A_109, %add3A_108] : memref<1x1000000xf32, #tpu.memory_space<hbm>> -> memref<1x7808xf32, #tpu.memory_space<hbm>>
    %dma_wait3A_113 = tpu.memref_squeeze %dma_wait3A_112 : memref<1x7808xf32, #tpu.memory_space<hbm>> -> memref<7808xf32, #tpu.memory_space<hbm>>
    tpu.wait_dma2 semaphore(%arg12 : memref<!tpu.dma_semaphore, #tpu.memory_space<semaphore_mem>>) src(%dma_wait3A_113 : memref<7808xf32, #tpu.memory_space<hbm>>) dst(%arg9 : memref<7808xf32, #tpu.memory_space<vmem>>)
    %add3A_114 = arith.constant 54656 : i32
    %add3A_115 = arith.addi %mul3A_7, %add3A_114 : i32
    %dma_start3A_116 = arith.constant 0 : i32
    %dma_start3A_117 = tpu.memref_slice %arg3[%dma_start3A_116, %add3A_115] : memref<1x1000000xf32, #tpu.memory_space<hbm>> -> memref<1x7808xf32, #tpu.memory_space<hbm>>
    %dma_start3A_118 = tpu.memref_squeeze %dma_start3A_117 : memref<1x7808xf32, #tpu.memory_space<hbm>> -> memref<7808xf32, #tpu.memory_space<hbm>>
    %dma_start3A_119 = tpu.memref_slice %arg3[%dma_start3A_116, %add3A_115] : memref<1x1000000xf32, #tpu.memory_space<hbm>> -> memref<1x7808xf32, #tpu.memory_space<hbm>>
    %dma_start3A_120 = tpu.memref_squeeze %dma_start3A_119 : memref<1x7808xf32, #tpu.memory_space<hbm>> -> memref<7808xf32, #tpu.memory_space<hbm>>
    tpu.enqueue_dma source(%dma_start3A_120 : memref<7808xf32, #tpu.memory_space<hbm>>) target(%arg10 : memref<7808xf32, #tpu.memory_space<vmem>>) target_semaphore(%arg12 : memref<!tpu.dma_semaphore, #tpu.memory_space<semaphore_mem>>)
    %add3A_121 = arith.constant 46848 : i32
    %add3A_122 = arith.addi %mul3A_7, %add3A_121 : i32
    "tpu.region"() ({
      %run_scoped3A = tpu.sem_alloc : memref<!tpu.dma_semaphore, #tpu.memory_space<semaphore_mem>>
      %dma_start3A_162 = tpu.memref_slice %arg8[%add3A_122] : memref<1000448xf32, #tpu.memory_space<vmem_shared>> -> memref<7808xf32, #tpu.memory_space<vmem_shared>>
      %dma_start3A_163 = tpu.memref_slice %arg8[%add3A_122] : memref<1000448xf32, #tpu.memory_space<vmem_shared>> -> memref<7808xf32, #tpu.memory_space<vmem_shared>>
      tpu.enqueue_dma source(%arg9 : memref<7808xf32, #tpu.memory_space<vmem>>) target(%dma_start3A_163 : memref<7808xf32, #tpu.memory_space<vmem_shared>>) target_semaphore(%run_scoped3A : memref<!tpu.dma_semaphore, #tpu.memory_space<semaphore_mem>>)
      %dma_wait3A_164 = tpu.memref_slice %arg8[%add3A_122] : memref<1000448xf32, #tpu.memory_space<vmem_shared>> -> memref<7808xf32, #tpu.memory_space<vmem_shared>>
      %dma_wait3A_165 = tpu.memref_slice %arg8[%add3A_122] : memref<1000448xf32, #tpu.memory_space<vmem_shared>> -> memref<7808xf32, #tpu.memory_space<vmem_shared>>
      tpu.wait_dma2 semaphore(%run_scoped3A : memref<!tpu.dma_semaphore, #tpu.memory_space<semaphore_mem>>) src(%arg9 : memref<7808xf32, #tpu.memory_space<vmem>>) dst(%dma_wait3A_165 : memref<7808xf32, #tpu.memory_space<vmem_shared>>)
      tpu.yield
    }) : () -> ()
    %add3A_123 = arith.constant 54656 : i32
    %add3A_124 = arith.addi %mul3A_7, %add3A_123 : i32
    %dma_wait3A_125 = arith.constant 0 : i32
    %dma_wait3A_126 = tpu.memref_slice %arg3[%dma_wait3A_125, %add3A_124] : memref<1x1000000xf32, #tpu.memory_space<hbm>> -> memref<1x7808xf32, #tpu.memory_space<hbm>>
    %dma_wait3A_127 = tpu.memref_squeeze %dma_wait3A_126 : memref<1x7808xf32, #tpu.memory_space<hbm>> -> memref<7808xf32, #tpu.memory_space<hbm>>
    %dma_wait3A_128 = tpu.memref_slice %arg3[%dma_wait3A_125, %add3A_124] : memref<1x1000000xf32, #tpu.memory_space<hbm>> -> memref<1x7808xf32, #tpu.memory_space<hbm>>
    %dma_wait3A_129 = tpu.memref_squeeze %dma_wait3A_128 : memref<1x7808xf32, #tpu.memory_space<hbm>> -> memref<7808xf32, #tpu.memory_space<hbm>>
    tpu.wait_dma2 semaphore(%arg12 : memref<!tpu.dma_semaphore, #tpu.memory_space<semaphore_mem>>) src(%dma_wait3A_129 : memref<7808xf32, #tpu.memory_space<hbm>>) dst(%arg10 : memref<7808xf32, #tpu.memory_space<vmem>>)
    %add3A_130 = arith.constant 54656 : i32
    %add3A_131 = arith.addi %mul3A_7, %add3A_130 : i32
    "tpu.region"() ({
      %run_scoped3A = tpu.sem_alloc : memref<!tpu.dma_semaphore, #tpu.memory_space<semaphore_mem>>
      %dma_start3A_162 = tpu.memref_slice %arg8[%add3A_131] : memref<1000448xf32, #tpu.memory_space<vmem_shared>> -> memref<7808xf32, #tpu.memory_space<vmem_shared>>
      %dma_start3A_163 = tpu.memref_slice %arg8[%add3A_131] : memref<1000448xf32, #tpu.memory_space<vmem_shared>> -> memref<7808xf32, #tpu.memory_space<vmem_shared>>
      tpu.enqueue_dma source(%arg10 : memref<7808xf32, #tpu.memory_space<vmem>>) target(%dma_start3A_163 : memref<7808xf32, #tpu.memory_space<vmem_shared>>) target_semaphore(%run_scoped3A : memref<!tpu.dma_semaphore, #tpu.memory_space<semaphore_mem>>)
      %dma_wait3A_164 = tpu.memref_slice %arg8[%add3A_131] : memref<1000448xf32, #tpu.memory_space<vmem_shared>> -> memref<7808xf32, #tpu.memory_space<vmem_shared>>
      %dma_wait3A_165 = tpu.memref_slice %arg8[%add3A_131] : memref<1000448xf32, #tpu.memory_space<vmem_shared>> -> memref<7808xf32, #tpu.memory_space<vmem_shared>>
      tpu.wait_dma2 semaphore(%run_scoped3A : memref<!tpu.dma_semaphore, #tpu.memory_space<semaphore_mem>>) src(%arg10 : memref<7808xf32, #tpu.memory_space<vmem>>) dst(%dma_wait3A_165 : memref<7808xf32, #tpu.memory_space<vmem_shared>>)
      tpu.yield
    }) : () -> ()
    %eq3A = arith.constant 15 : i32
    %eq3A_132 = arith.cmpi eq, %arg1, %eq3A : i32
    %convert_element_type3A = arith.extui %eq3A_132 : i1 to i32
    %cond3A = arith.constant 0 : i32
    %cond3A_133 = arith.cmpi ne, %convert_element_type3A, %cond3A : i32
    scf.if %cond3A_133 {
      %run_scoped3A = arith.constant 0 : i32
      "tpu.region"() ({
        %run_scoped3A_162 = tpu.sem_alloc : memref<!tpu.dma_semaphore, #tpu.memory_space<semaphore_mem>>
        %dma_start3A_163 = arith.constant 0 : i32
        %dma_start3A_164 = tpu.memref_slice %arg9[%dma_start3A_163] : memref<7808xf32, #tpu.memory_space<vmem>> -> memref<576xf32, #tpu.memory_space<vmem>>
        %dma_start3A_165 = arith.constant 999424 : i32
        %dma_start3A_166 = tpu.memref_slice %arg3[%run_scoped3A, %dma_start3A_165] : memref<1x1000000xf32, #tpu.memory_space<hbm>> -> memref<1x576xf32, #tpu.memory_space<hbm>>
        %dma_start3A_167 = tpu.memref_squeeze %dma_start3A_166 : memref<1x576xf32, #tpu.memory_space<hbm>> -> memref<576xf32, #tpu.memory_space<hbm>>
        %dma_start3A_168 = arith.constant 0 : i32
        %dma_start3A_169 = tpu.memref_slice %arg9[%dma_start3A_168] : memref<7808xf32, #tpu.memory_space<vmem>> -> memref<576xf32, #tpu.memory_space<vmem>>
        %dma_start3A_170 = arith.constant 999424 : i32
        %dma_start3A_171 = tpu.memref_slice %arg3[%run_scoped3A, %dma_start3A_170] : memref<1x1000000xf32, #tpu.memory_space<hbm>> -> memref<1x576xf32, #tpu.memory_space<hbm>>
        %dma_start3A_172 = tpu.memref_squeeze %dma_start3A_171 : memref<1x576xf32, #tpu.memory_space<hbm>> -> memref<576xf32, #tpu.memory_space<hbm>>
        tpu.enqueue_dma source(%dma_start3A_172 : memref<576xf32, #tpu.memory_space<hbm>>) target(%dma_start3A_169 : memref<576xf32, #tpu.memory_space<vmem>>) target_semaphore(%run_scoped3A_162 : memref<!tpu.dma_semaphore, #tpu.memory_space<semaphore_mem>>)
        %dma_wait3A_173 = arith.constant 0 : i32
        %dma_wait3A_174 = tpu.memref_slice %arg9[%dma_wait3A_173] : memref<7808xf32, #tpu.memory_space<vmem>> -> memref<576xf32, #tpu.memory_space<vmem>>
        %dma_wait3A_175 = arith.constant 999424 : i32
        %dma_wait3A_176 = tpu.memref_slice %arg3[%run_scoped3A, %dma_wait3A_175] : memref<1x1000000xf32, #tpu.memory_space<hbm>> -> memref<1x576xf32, #tpu.memory_space<hbm>>
        %dma_wait3A_177 = tpu.memref_squeeze %dma_wait3A_176 : memref<1x576xf32, #tpu.memory_space<hbm>> -> memref<576xf32, #tpu.memory_space<hbm>>
        %dma_wait3A_178 = arith.constant 0 : i32
        %dma_wait3A_179 = tpu.memref_slice %arg9[%dma_wait3A_178] : memref<7808xf32, #tpu.memory_space<vmem>> -> memref<576xf32, #tpu.memory_space<vmem>>
        %dma_wait3A_180 = arith.constant 999424 : i32
        %dma_wait3A_181 = tpu.memref_slice %arg3[%run_scoped3A, %dma_wait3A_180] : memref<1x1000000xf32, #tpu.memory_space<hbm>> -> memref<1x576xf32, #tpu.memory_space<hbm>>
        %dma_wait3A_182 = tpu.memref_squeeze %dma_wait3A_181 : memref<1x576xf32, #tpu.memory_space<hbm>> -> memref<576xf32, #tpu.memory_space<hbm>>
        tpu.wait_dma2 semaphore(%run_scoped3A_162 : memref<!tpu.dma_semaphore, #tpu.memory_space<semaphore_mem>>) src(%dma_wait3A_182 : memref<576xf32, #tpu.memory_space<hbm>>) dst(%dma_wait3A_179 : memref<576xf32, #tpu.memory_space<vmem>>)
        tpu.yield
      }) : () -> ()
      "tpu.region"() ({
        %run_scoped3A_162 = tpu.sem_alloc : memref<!tpu.dma_semaphore, #tpu.memory_space<semaphore_mem>>
        %dma_start3A_163 = arith.constant 0 : i32
        %dma_start3A_164 = tpu.memref_slice %arg9[%dma_start3A_163] : memref<7808xf32, #tpu.memory_space<vmem>> -> memref<576xf32, #tpu.memory_space<vmem>>
        %dma_start3A_165 = arith.constant 999424 : i32
        %dma_start3A_166 = tpu.memref_slice %arg8[%dma_start3A_165] : memref<1000448xf32, #tpu.memory_space<vmem_shared>> -> memref<576xf32, #tpu.memory_space<vmem_shared>>
        %dma_start3A_167 = arith.constant 999424 : i32
        %dma_start3A_168 = tpu.memref_slice %arg8[%dma_start3A_167] : memref<1000448xf32, #tpu.memory_space<vmem_shared>> -> memref<576xf32, #tpu.memory_space<vmem_shared>>
        %dma_start3A_169 = arith.constant 0 : i32
        %dma_start3A_170 = tpu.memref_slice %arg9[%dma_start3A_169] : memref<7808xf32, #tpu.memory_space<vmem>> -> memref<576xf32, #tpu.memory_space<vmem>>
        tpu.enqueue_dma source(%dma_start3A_170 : memref<576xf32, #tpu.memory_space<vmem>>) target(%dma_start3A_168 : memref<576xf32, #tpu.memory_space<vmem_shared>>) target_semaphore(%run_scoped3A_162 : memref<!tpu.dma_semaphore, #tpu.memory_space<semaphore_mem>>)
        %dma_wait3A_171 = arith.constant 0 : i32
        %dma_wait3A_172 = tpu.memref_slice %arg9[%dma_wait3A_171] : memref<7808xf32, #tpu.memory_space<vmem>> -> memref<576xf32, #tpu.memory_space<vmem>>
        %dma_wait3A_173 = arith.constant 999424 : i32
        %dma_wait3A_174 = tpu.memref_slice %arg8[%dma_wait3A_173] : memref<1000448xf32, #tpu.memory_space<vmem_shared>> -> memref<576xf32, #tpu.memory_space<vmem_shared>>
        %dma_wait3A_175 = arith.constant 999424 : i32
        %dma_wait3A_176 = tpu.memref_slice %arg8[%dma_wait3A_175] : memref<1000448xf32, #tpu.memory_space<vmem_shared>> -> memref<576xf32, #tpu.memory_space<vmem_shared>>
        %dma_wait3A_177 = arith.constant 0 : i32
        %dma_wait3A_178 = tpu.memref_slice %arg9[%dma_wait3A_177] : memref<7808xf32, #tpu.memory_space<vmem>> -> memref<576xf32, #tpu.memory_space<vmem>>
        tpu.wait_dma2 semaphore(%run_scoped3A_162 : memref<!tpu.dma_semaphore, #tpu.memory_space<semaphore_mem>>) src(%dma_wait3A_178 : memref<576xf32, #tpu.memory_space<vmem>>) dst(%dma_wait3A_176 : memref<576xf32, #tpu.memory_space<vmem_shared>>)
        tpu.yield
      }) : () -> ()
    } else {
    }
    %dma_wait3A_134 = arith.constant 0 : i32
    %dma_wait3A_135 = arith.constant 0 : i32
    %dma_wait3A_136 = tpu.memref_slice %arg2[%dma_wait3A_134, %dma_wait3A_135] : memref<26x16384xi32, #tpu.memory_space<hbm>> -> memref<1x13312xi32, #tpu.memory_space<hbm>>
    %dma_wait3A_137 = tpu.memref_squeeze %dma_wait3A_136 : memref<1x13312xi32, #tpu.memory_space<hbm>> -> memref<13312xi32, #tpu.memory_space<hbm>>
    %dma_wait3A_138 = arith.constant 0 : i32
    %dma_wait3A_139 = tpu.memref_slice %arg2[%dma_wait3A_134, %dma_wait3A_138] : memref<26x16384xi32, #tpu.memory_space<hbm>> -> memref<1x13312xi32, #tpu.memory_space<hbm>>
    %dma_wait3A_140 = tpu.memref_squeeze %dma_wait3A_139 : memref<1x13312xi32, #tpu.memory_space<hbm>> -> memref<13312xi32, #tpu.memory_space<hbm>>
    tpu.wait_dma2 semaphore(%arg11 : memref<!tpu.dma_semaphore, #tpu.memory_space<semaphore_mem>>) src(%dma_wait3A_140 : memref<13312xi32, #tpu.memory_space<hbm>>) dst(%arg5 : memref<13312xi32, #tpu.memory_space<vmem>>)
    %barrier3A = arith.constant 0 : index
    tpu.barrier barrier_id(%barrier3A)
    %scan3A_141 = arith.constant 0 : i32
    %scan3A_142 = arith.constant 0 : i32
    %scan3A_143 = arith.constant 26 : i32
    %scan3A_144 = arith.addi %scan3A_142, %scan3A_143 : i32
    %scan3A_145 = arith.constant 1 : i32
    scf.for %scan3A_162 = %scan3A_142 to %scan3A_144 step %scan3A_145  : i32 {
      %mul3A_163 = arith.constant 512 : i32
      %mul3A_164 = arith.muli %scan3A_162, %mul3A_163 : i32
      %mul3A_165 = arith.constant 512 : i32
      %mul3A_166 = arith.muli %scan3A_162, %mul3A_165 : i32
      %dma_start3A_167 = tpu.memref_slice %arg6[%mul3A_166] : memref<13312xf32, #tpu.memory_space<vmem>> -> memref<512xf32, #tpu.memory_space<vmem>>
      %dma_start3A_168 = tpu.memref_slice %arg5[%mul3A_164] : memref<13312xi32, #tpu.memory_space<vmem>> -> memref<512xi32, #tpu.memory_space<vmem>>
      %dma_start3A_169 = arith.constant 0 : i32
      %dma_start3A_170 = tpu.memref_slice %arg8[%dma_start3A_169] : memref<1000448xf32, #tpu.memory_space<vmem_shared>> -> memref<1000448xf32, #tpu.memory_space<vmem_shared>>
      tpu.enqueue_indirect_dma source(%dma_start3A_170 : memref<1000448xf32, #tpu.memory_space<vmem_shared>>) target(%dma_start3A_167 : memref<512xf32, #tpu.memory_space<vmem>>) offsets(%dma_start3A_168 : memref<512xi32, #tpu.memory_space<vmem>>) semaphore(%arg11 : memref<!tpu.dma_semaphore, #tpu.memory_space<semaphore_mem>>)
    }
    %scan3A_146 = arith.constant 26 : i32
    %dma_wait3A_147 = arith.constant 0 : i32
    %dma_wait3A_148 = arith.constant 0 : i32
    %dma_wait3A_149 = tpu.memref_slice %arg3[%dma_wait3A_147, %dma_wait3A_148] : memref<1x1000000xf32, #tpu.memory_space<hbm>> -> memref<1x13312xf32, #tpu.memory_space<hbm>>
    %dma_wait3A_150 = tpu.memref_squeeze %dma_wait3A_149 : memref<1x13312xf32, #tpu.memory_space<hbm>> -> memref<13312xf32, #tpu.memory_space<hbm>>
    %dma_wait3A_151 = arith.constant 0 : i32
    %dma_wait3A_152 = tpu.memref_slice %arg3[%dma_wait3A_147, %dma_wait3A_151] : memref<1x1000000xf32, #tpu.memory_space<hbm>> -> memref<1x13312xf32, #tpu.memory_space<hbm>>
    %dma_wait3A_153 = tpu.memref_squeeze %dma_wait3A_152 : memref<1x13312xf32, #tpu.memory_space<hbm>> -> memref<13312xf32, #tpu.memory_space<hbm>>
    tpu.wait_dma2 semaphore(%arg11 : memref<!tpu.dma_semaphore, #tpu.memory_space<semaphore_mem>>) src(%dma_wait3A_153 : memref<13312xf32, #tpu.memory_space<hbm>>) dst(%arg6 : memref<13312xf32, #tpu.memory_space<vmem>>)
    %scan3A_154 = arith.constant 0 : i32
    %scan3A_155 = arith.constant 0 : i32
    %scan3A_156 = arith.constant 32 : i32
    %scan3A_157 = arith.addi %scan3A_155, %scan3A_156 : i32
    %scan3A_158 = arith.constant 1 : i32
    scf.for %scan3A_162 = %scan3A_155 to %scan3A_157 step %scan3A_158  : i32 {
      %mul3A_163 = arith.constant 16 : i32
      %mul3A_164 = arith.muli %scan3A_162, %mul3A_163 : i32
      %get3A = arith.index_cast %mul3A_164 : i32 to index
      %get3A_165 = tpu.vector_load %arg6[%get3A] {strides = array<i32>} : memref<13312xf32, #tpu.memory_space<vmem>>, vector<16xf32>,
      %add3A_166 = arith.constant 512 : i32
      %add3A_167 = arith.addi %add3A_166, %mul3A_164 : i32
      %get3A_168 = arith.index_cast %add3A_167 : i32 to index
      %get3A_169 = tpu.vector_load %arg6[%get3A_168] {strides = array<i32>} : memref<13312xf32, #tpu.memory_space<vmem>>, vector<16xf32>,
      %add3A_170 = arith.addf %get3A_165, %get3A_169 : vector<16xf32>
      %add3A_171 = arith.constant 1024 : i32
      %add3A_172 = arith.addi %add3A_171, %mul3A_164 : i32
      %get3A_173 = arith.index_cast %add3A_172 : i32 to index
      %get3A_174 = tpu.vector_load %arg6[%get3A_173] {strides = array<i32>} : memref<13312xf32, #tpu.memory_space<vmem>>, vector<16xf32>,
      %add3A_175 = arith.addf %add3A_170, %get3A_174 : vector<16xf32>
      %add3A_176 = arith.constant 1536 : i32
      %add3A_177 = arith.addi %add3A_176, %mul3A_164 : i32
      %get3A_178 = arith.index_cast %add3A_177 : i32 to index
      %get3A_179 = tpu.vector_load %arg6[%get3A_178] {strides = array<i32>} : memref<13312xf32, #tpu.memory_space<vmem>>, vector<16xf32>,
      %add3A_180 = arith.addf %add3A_175, %get3A_179 : vector<16xf32>
      %add3A_181 = arith.constant 2048 : i32
      %add3A_182 = arith.addi %add3A_181, %mul3A_164 : i32
      %get3A_183 = arith.index_cast %add3A_182 : i32 to index
      %get3A_184 = tpu.vector_load %arg6[%get3A_183] {strides = array<i32>} : memref<13312xf32, #tpu.memory_space<vmem>>, vector<16xf32>,
      %add3A_185 = arith.addf %add3A_180, %get3A_184 : vector<16xf32>
      %add3A_186 = arith.constant 2560 : i32
      %add3A_187 = arith.addi %add3A_186, %mul3A_164 : i32
      %get3A_188 = arith.index_cast %add3A_187 : i32 to index
      %get3A_189 = tpu.vector_load %arg6[%get3A_188] {strides = array<i32>} : memref<13312xf32, #tpu.memory_space<vmem>>, vector<16xf32>,
      %add3A_190 = arith.addf %add3A_185, %get3A_189 : vector<16xf32>
      %add3A_191 = arith.constant 3072 : i32
      %add3A_192 = arith.addi %add3A_191, %mul3A_164 : i32
      %get3A_193 = arith.index_cast %add3A_192 : i32 to index
      %get3A_194 = tpu.vector_load %arg6[%get3A_193] {strides = array<i32>} : memref<13312xf32, #tpu.memory_space<vmem>>, vector<16xf32>,
      %add3A_195 = arith.addf %add3A_190, %get3A_194 : vector<16xf32>
      %add3A_196 = arith.constant 3584 : i32
      %add3A_197 = arith.addi %add3A_196, %mul3A_164 : i32
      %get3A_198 = arith.index_cast %add3A_197 : i32 to index
      %get3A_199 = tpu.vector_load %arg6[%get3A_198] {strides = array<i32>} : memref<13312xf32, #tpu.memory_space<vmem>>, vector<16xf32>,
      %add3A_200 = arith.addf %add3A_195, %get3A_199 : vector<16xf32>
      %add3A_201 = arith.constant 4096 : i32
      %add3A_202 = arith.addi %add3A_201, %mul3A_164 : i32
      %get3A_203 = arith.index_cast %add3A_202 : i32 to index
      %get3A_204 = tpu.vector_load %arg6[%get3A_203] {strides = array<i32>} : memref<13312xf32, #tpu.memory_space<vmem>>, vector<16xf32>,
      %add3A_205 = arith.addf %add3A_200, %get3A_204 : vector<16xf32>
      %add3A_206 = arith.constant 4608 : i32
      %add3A_207 = arith.addi %add3A_206, %mul3A_164 : i32
      %get3A_208 = arith.index_cast %add3A_207 : i32 to index
      %get3A_209 = tpu.vector_load %arg6[%get3A_208] {strides = array<i32>} : memref<13312xf32, #tpu.memory_space<vmem>>, vector<16xf32>,
      %add3A_210 = arith.addf %add3A_205, %get3A_209 : vector<16xf32>
      %add3A_211 = arith.constant 5120 : i32
      %add3A_212 = arith.addi %add3A_211, %mul3A_164 : i32
      %get3A_213 = arith.index_cast %add3A_212 : i32 to index
      %get3A_214 = tpu.vector_load %arg6[%get3A_213] {strides = array<i32>} : memref<13312xf32, #tpu.memory_space<vmem>>, vector<16xf32>,
      %add3A_215 = arith.addf %add3A_210, %get3A_214 : vector<16xf32>
      %add3A_216 = arith.constant 5632 : i32
      %add3A_217 = arith.addi %add3A_216, %mul3A_164 : i32
      %get3A_218 = arith.index_cast %add3A_217 : i32 to index
      %get3A_219 = tpu.vector_load %arg6[%get3A_218] {strides = array<i32>} : memref<13312xf32, #tpu.memory_space<vmem>>, vector<16xf32>,
      %add3A_220 = arith.addf %add3A_215, %get3A_219 : vector<16xf32>
      %add3A_221 = arith.constant 6144 : i32
      %add3A_222 = arith.addi %add3A_221, %mul3A_164 : i32
      %get3A_223 = arith.index_cast %add3A_222 : i32 to index
      %get3A_224 = tpu.vector_load %arg6[%get3A_223] {strides = array<i32>} : memref<13312xf32, #tpu.memory_space<vmem>>, vector<16xf32>,
      %add3A_225 = arith.addf %add3A_220, %get3A_224 : vector<16xf32>
      %add3A_226 = arith.constant 6656 : i32
      %add3A_227 = arith.addi %add3A_226, %mul3A_164 : i32
      %get3A_228 = arith.index_cast %add3A_227 : i32 to index
      %get3A_229 = tpu.vector_load %arg6[%get3A_228] {strides = array<i32>} : memref<13312xf32, #tpu.memory_space<vmem>>, vector<16xf32>,
      %add3A_230 = arith.addf %add3A_225, %get3A_229 : vector<16xf32>
      %add3A_231 = arith.constant 7168 : i32
      %add3A_232 = arith.addi %add3A_231, %mul3A_164 : i32
      %get3A_233 = arith.index_cast %add3A_232 : i32 to index
      %get3A_234 = tpu.vector_load %arg6[%get3A_233] {strides = array<i32>} : memref<13312xf32, #tpu.memory_space<vmem>>, vector<16xf32>,
      %add3A_235 = arith.addf %add3A_230, %get3A_234 : vector<16xf32>
      %add3A_236 = arith.constant 7680 : i32
      %add3A_237 = arith.addi %add3A_236, %mul3A_164 : i32
      %get3A_238 = arith.index_cast %add3A_237 : i32 to index
      %get3A_239 = tpu.vector_load %arg6[%get3A_238] {strides = array<i32>} : memref<13312xf32, #tpu.memory_space<vmem>>, vector<16xf32>,
      %add3A_240 = arith.addf %add3A_235, %get3A_239 : vector<16xf32>
      %add3A_241 = arith.constant 8192 : i32
      %add3A_242 = arith.addi %add3A_241, %mul3A_164 : i32
      %get3A_243 = arith.index_cast %add3A_242 : i32 to index
      %get3A_244 = tpu.vector_load %arg6[%get3A_243] {strides = array<i32>} : memref<13312xf32, #tpu.memory_space<vmem>>, vector<16xf32>,
      %add3A_245 = arith.addf %add3A_240, %get3A_244 : vector<16xf32>
      %add3A_246 = arith.constant 8704 : i32
      %add3A_247 = arith.addi %add3A_246, %mul3A_164 : i32
      %get3A_248 = arith.index_cast %add3A_247 : i32 to index
      %get3A_249 = tpu.vector_load %arg6[%get3A_248] {strides = array<i32>} : memref<13312xf32, #tpu.memory_space<vmem>>, vector<16xf32>,
      %add3A_250 = arith.addf %add3A_245, %get3A_249 : vector<16xf32>
      %add3A_251 = arith.constant 9216 : i32
      %add3A_252 = arith.addi %add3A_251, %mul3A_164 : i32
      %get3A_253 = arith.index_cast %add3A_252 : i32 to index
      %get3A_254 = tpu.vector_load %arg6[%get3A_253] {strides = array<i32>} : memref<13312xf32, #tpu.memory_space<vmem>>, vector<16xf32>,
      %add3A_255 = arith.addf %add3A_250, %get3A_254 : vector<16xf32>
      %add3A_256 = arith.constant 9728 : i32
      %add3A_257 = arith.addi %add3A_256, %mul3A_164 : i32
      %get3A_258 = arith.index_cast %add3A_257 : i32 to index
      %get3A_259 = tpu.vector_load %arg6[%get3A_258] {strides = array<i32>} : memref<13312xf32, #tpu.memory_space<vmem>>, vector<16xf32>,
      %add3A_260 = arith.addf %add3A_255, %get3A_259 : vector<16xf32>
      %add3A_261 = arith.constant 10240 : i32
      %add3A_262 = arith.addi %add3A_261, %mul3A_164 : i32
      %get3A_263 = arith.index_cast %add3A_262 : i32 to index
      %get3A_264 = tpu.vector_load %arg6[%get3A_263] {strides = array<i32>} : memref<13312xf32, #tpu.memory_space<vmem>>, vector<16xf32>,
      %add3A_265 = arith.addf %add3A_260, %get3A_264 : vector<16xf32>
      %add3A_266 = arith.constant 10752 : i32
      %add3A_267 = arith.addi %add3A_266, %mul3A_164 : i32
      %get3A_268 = arith.index_cast %add3A_267 : i32 to index
      %get3A_269 = tpu.vector_load %arg6[%get3A_268] {strides = array<i32>} : memref<13312xf32, #tpu.memory_space<vmem>>, vector<16xf32>,
      %add3A_270 = arith.addf %add3A_265, %get3A_269 : vector<16xf32>
      %add3A_271 = arith.constant 11264 : i32
      %add3A_272 = arith.addi %add3A_271, %mul3A_164 : i32
      %get3A_273 = arith.index_cast %add3A_272 : i32 to index
      %get3A_274 = tpu.vector_load %arg6[%get3A_273] {strides = array<i32>} : memref<13312xf32, #tpu.memory_space<vmem>>, vector<16xf32>,
      %add3A_275 = arith.addf %add3A_270, %get3A_274 : vector<16xf32>
      %add3A_276 = arith.constant 11776 : i32
      %add3A_277 = arith.addi %add3A_276, %mul3A_164 : i32
      %get3A_278 = arith.index_cast %add3A_277 : i32 to index
      %get3A_279 = tpu.vector_load %arg6[%get3A_278] {strides = array<i32>} : memref<13312xf32, #tpu.memory_space<vmem>>, vector<16xf32>,
      %add3A_280 = arith.addf %add3A_275, %get3A_279 : vector<16xf32>
      %add3A_281 = arith.constant 12288 : i32
      %add3A_282 = arith.addi %add3A_281, %mul3A_164 : i32
      %get3A_283 = arith.index_cast %add3A_282 : i32 to index
      %get3A_284 = tpu.vector_load %arg6[%get3A_283] {strides = array<i32>} : memref<13312xf32, #tpu.memory_space<vmem>>, vector<16xf32>,
      %add3A_285 = arith.addf %add3A_280, %get3A_284 : vector<16xf32>
      %add3A_286 = arith.constant 12800 : i32
      %add3A_287 = arith.addi %add3A_286, %mul3A_164 : i32
      %get3A_288 = arith.index_cast %add3A_287 : i32 to index
      %get3A_289 = tpu.vector_load %arg6[%get3A_288] {strides = array<i32>} : memref<13312xf32, #tpu.memory_space<vmem>>, vector<16xf32>,
      %add3A_290 = arith.addf %add3A_285, %get3A_289 : vector<16xf32>
      %swap3A = arith.index_cast %mul3A_164 : i32 to index
      %swap3A_291 = tpu.vector_load %arg7[%swap3A] {strides = array<i32>} : memref<512xf32, #tpu.memory_space<vmem>>, vector<16xf32>,
      tpu.vector_store %arg7[%swap3A], %add3A_290 {strides = array<i32>} : memref<512xf32, #tpu.memory_space<vmem>>, vector<16xf32>,
    }
    %scan3A_159 = arith.constant 32 : i32
    %mul3A_160 = arith.constant 512 : i32
    %mul3A_161 = arith.muli %add3A, %mul3A_160 : i32
    "tpu.region"() ({
      %run_scoped3A = tpu.sem_alloc : memref<!tpu.dma_semaphore, #tpu.memory_space<semaphore_mem>>
      %dma_start3A_162 = tpu.memref_slice %arg4[%mul3A_161] : memref<16384xf32, #tpu.memory_space<hbm>> -> memref<512xf32, #tpu.memory_space<hbm>>
      %dma_start3A_163 = tpu.memref_slice %arg4[%mul3A_161] : memref<16384xf32, #tpu.memory_space<hbm>> -> memref<512xf32, #tpu.memory_space<hbm>>
      tpu.enqueue_dma source(%arg7 : memref<512xf32, #tpu.memory_space<vmem>>) target(%dma_start3A_163 : memref<512xf32, #tpu.memory_space<hbm>>) target_semaphore(%run_scoped3A : memref<!tpu.dma_semaphore, #tpu.memory_space<semaphore_mem>>)
      %dma_wait3A_164 = tpu.memref_slice %arg4[%mul3A_161] : memref<16384xf32, #tpu.memory_space<hbm>> -> memref<512xf32, #tpu.memory_space<hbm>>
      %dma_wait3A_165 = tpu.memref_slice %arg4[%mul3A_161] : memref<16384xf32, #tpu.memory_space<hbm>> -> memref<512xf32, #tpu.memory_space<hbm>>
      tpu.wait_dma2 semaphore(%run_scoped3A : memref<!tpu.dma_semaphore, #tpu.memory_space<semaphore_mem>>) src(%arg7 : memref<512xf32, #tpu.memory_space<vmem>>) dst(%dma_wait3A_165 : memref<512xf32, #tpu.memory_space<hbm>>)
      tpu.yield
    }) : () -> ()
    return
  }
}

</mosaic_0001>

<sc_bundles>
// kernel: kernel.3.cloned.1.call-start
scs
__scs_entry_jumppad:
0x0: {  	(pc) =	sbr.rel $0x88, $3  }
0x1: {  	(tag) =	ssettag $0x0;
	lr =	simm.s32 $0x1  }
0x2: {  	[smem:$0x3F9F] =	sst lr;
	_ =	strace $0xD0000000  }
0x3: {  	_ = 	snop  }
0x4: {  	_ = 	snop  }
0x5: {  	_ = 	snop  }
0x6: {  	_ = 	snop  }
0x7: {  	_ = 	snop  }
__scs_overlays_trampoline_lowered:
0x8: {  	[smem:$0x3FAE] =	sst s0  }
0x9: {  	[smem:$0x3FAF] =	sst s1  }
0xa: {  	[smem:$0x3FB0] =	sst s2  }
0xb: {  	[smem:$0x3FB1] =	sst s3  }
0xc: {  	[smem:$0x3FB2] =	sst s4  }
0xd: {  	[smem:$0x3FB3] =	sst s5  }
0xe: {  	[smem:$0x3FB4] =	sst s6  }
0xf: {  	[smem:$0x3FB5] =	sst s7  }
0x10: {  	[smem:$0x3FB6] =	sst s8  }
0x11: {  	[smem:$0x3FB7] =	sst s9;
	s0 =	simm.s32 @!p0 $0x0  }
0x12: {  	s1 =	sld [smem:$0x3F9D];
	s0 =	simm.s32 @p0 $0x1  }
0x13: {  	[smem:$0x3FB8] =	sst s0;
	s0 =	simm.s32 @!p1 $0x0  }
0x14: {  	s2 =	sld [smem:$0x3F9C];
	s0 =	simm.s32 @p1 $0x1  }
0x15: {  	[smem:$0x3FB9] =	sst s0;
	s0 =	simm.s32 @!p2 $0x0  }
0x16: {  	s3 =	sld [smem:$0x3FDB];
	s0 =	simm.s32 @p2 $0x1  }
0x17: {  	s4 =	simm.s32 $0x1BF5;
	[smem:$0x3FBB] =	sst s0  }
0x18: {  	s0 =	sld [smem:$0x3F9E];
	_ =	swait.ge [sflag:s4], $0x0  }
0x19: {  	s7 =	sld [smem:$0x3F9F]  }
0x1a: {  	s8 =	sadd.s32 $0xFFFFE003, lr  }
0x1b: {  	s9 =	sadd.s32 $0xFFFFFEF7, lr;
	s5 =	simm.s32 $0xFFFFFFFF;
	p2 =	slt.u32 s8, $0xFFFFF086  }
0x1c: {  	p1 =	slt.u32 s9, $0xF7A;
	s5 =	simm.s32 @!p2 $0x0  }
0x1d: {  	s5 =	simm.s32 @p1 $0x1;
	p0 =	seq.s32 s7, s2  }
0x1e: {  	s7 =	smul.u32 @!p0 $0xF7A, s2;
	p2 =	seq.s32 @!p0 s5, $0x0  }
0x1f: {  	s9 =	smul.u32 $0xF7A, s1;
	s8 =	simm.s32 @!p0 $0x1BF5;
	p2 =	por !p2, p0  }
0x20: {  	[sflag:s8] =	ssyncset.s32 @!p0 $0xFFFFF086;
	s6 =	sadd.s32 @!p0 s3, s7;
	s7 =	simm.s32 @!p0 $0x108  }
0x21: {  	s3 =	sadd.s32 s3, s9;
	s6 =	sadd.s32 @!p0 $0x88, s6;
	s7 =	simm.s32 @p2 $0x1082  }
0x22: {  	[simem:s7], [sflag:s8] =	dma.local @!p0 [hbm:s6], $0xF7A  }
0x23: {  	s9 =	sor.u32 $0xD0000000, s2;
	s6 =	simm.s32 $0x108;
	_ =	swait.ge @!p0 [sflag:s8], $0x0  }
0x24: {  	s3 =	sadd.s32 $0x88, s3;
	s6 =	simm.s32 @!p1 $0x1082;
	[sflag:s4] =	ssyncset.s32 $0xFFFFF086  }
0x25: {  	[simem:s6], [sflag:s4] =	dma.local [hbm:s3], $0xF7A  }
0x26: {  	[smem:$0x3F9F] =	sst s1;
	(tag) =	ssettag s2;
	_ =	strace s9  }
0x27: {  	s1 =	sld [smem:$0x3FAF]  }
0x28: {  	s2 =	sld [smem:$0x3FB0]  }
0x29: {  	s4 =	sld [smem:$0x3FB2]  }
0x2a: {  	p0 =	seq.s32 s5, $0x0;
	s5 =	sld [smem:$0x3FB3]  }
0x2b: {  	s6 =	sld [smem:$0x3FB4]  }
0x2c: {  	s7 =	sld [smem:$0x3FB5]  }
0x2d: {  	s3 =	simm.s32 $0x108;
	s8 =	sld [smem:$0x3FB6]  }
0x2e: {  	s3 =	simm.s32 @!p0 $0x1082;
	s9 =	sld [smem:$0x3FB7]  }
0x2f: {  	lr =	sadd.s32 s0, s3;
	s0 =	sld [smem:$0x3FAE]  }
0x30: {  	s3 =	sld [smem:$0x3FB1]  }
0x31: {  	[smem:$0x3FBA] =	sst s10  }
0x32: {  	s10 =	sld [smem:$0x3FB8];
	_ =	sdelay $0x3  }
0x33: {  	p0 =	seq.s32 s10, $0x1;
	s10 =	sld [smem:$0x3FBA];
	_ =	sdelay $0x3  }
0x34: {  	[smem:$0x3FBA] =	sst s10  }
0x35: {  	s10 =	sld [smem:$0x3FB9];
	_ =	sdelay $0x3  }
0x36: {  	p1 =	seq.s32 s10, $0x1;
	s10 =	sld [smem:$0x3FBA];
	_ =	sdelay $0x3  }
0x37: {  	[smem:$0x3FBA] =	sst s10  }
0x38: {  	s10 =	sld [smem:$0x3FBB]  }
0x39: {  	_ = 	snop;
	(pc) =	sbr.ind lr, $3  }
0x3a: {  	_ = 	snop  }
0x3b: {  	_ = 	snop  }
0x3c: {  	p2 =	seq.s32 s10, $0x1;
	s10 =	sld [smem:$0x3FBA]  }
0x3d: {  	_ =	shalt  }
0x3e: {  	_ =	shalt  }
0x3f: {  	_ =	shalt  }
0x40: {  	_ =	shalt  }
0x41: {  	_ =	shalt  }
0x42: {  	_ =	shalt  }
0x43: {  	_ =	shalt  }
0x44: {  	_ =	shalt  }
0x45: {  	_ =	shalt  }
0x46: {  	_ =	shalt  }
0x47: {  	_ =	shalt  }
0x48: {  	_ =	shalt  }
0x49: {  	_ =	shalt  }
0x4a: {  	_ =	shalt  }
0x4b: {  	_ =	shalt  }
0x4c: {  	_ =	shalt  }
0x4d: {  	_ =	shalt  }
0x4e: {  	_ =	shalt  }
0x4f: {  	_ =	shalt  }
0x50: {  	_ =	shalt  }
0x51: {  	_ =	shalt  }
0x52: {  	_ =	shalt  }
0x53: {  	_ =	shalt  }
0x54: {  	_ =	shalt  }
0x55: {  	_ =	shalt  }
0x56: {  	_ =	shalt  }
0x57: {  	_ =	shalt  }
0x58: {  	_ =	shalt  }
0x59: {  	_ =	shalt  }
0x5a: {  	_ =	shalt  }
0x5b: {  	_ =	shalt  }
0x5c: {  	_ =	shalt  }
0x5d: {  	_ =	shalt  }
0x5e: {  	_ =	shalt  }
0x5f: {  	_ =	shalt  }
0x60: {  	_ =	shalt  }
0x61: {  	_ =	shalt  }
0x62: {  	_ =	shalt  }
0x63: {  	_ =	shalt  }
0x64: {  	_ =	shalt  }
0x65: {  	_ =	shalt  }
0x66: {  	_ =	shalt  }
0x67: {  	_ =	shalt  }
0x68: {  	_ =	shalt  }
0x69: {  	_ =	shalt  }
0x6a: {  	_ =	shalt  }
0x6b: {  	_ =	shalt  }
0x6c: {  	_ =	shalt  }
0x6d: {  	_ =	shalt  }
0x6e: {  	_ =	shalt  }
0x6f: {  	_ =	shalt  }
0x70: {  	_ =	shalt  }
0x71: {  	_ =	shalt  }
0x72: {  	_ =	shalt  }
0x73: {  	_ =	shalt  }
0x74: {  	_ =	shalt  }
0x75: {  	_ =	shalt  }
0x76: {  	_ =	shalt  }
0x77: {  	_ =	shalt  }
0x78: {  	_ =	shalt  }
0x79: {  	_ =	shalt  }
0x7a: {  	_ =	shalt  }
0x7b: {  	_ =	shalt  }
0x7c: {  	_ =	shalt  }
0x7d: {  	_ =	shalt  }
0x7e: {  	_ =	shalt  }
0x7f: {  	_ =	shalt  }
0x80: {  	_ =	shalt  }
0x81: {  	_ =	shalt  }
0x82: {  	_ =	shalt  }
0x83: {  	_ =	shalt  }
0x84: {  	_ =	shalt  }
0x85: {  	_ =	shalt  }
0x86: {  	_ =	shalt  }
0x87: {  	_ =	shalt  }
.Lfunc_end0:
.L_simem_size_0:
called_computation_lowered:
.L_overlay_start_0:
0x88: {  	s2 =	sld [smem:$0x3FD9]  }
0x89: {  	s3 =	sld [smem:$0x3FFE];
	_ =	sdelay $0x1  }
0x8a: {  	s1 =	srdreg.scid  }
0x8b: {  	s0 =	sand.u32 $0x1, s1  }
0x8c: {  	s18 =	sshll.u32 s0, $0xA;
	s2 =	sadd.s32 s3, s2  }
0x8d: {  	s2 =	sadd.s32 s2, s18  }
0x8e: {  	[smem:$0x3FC6] =	sst s2  }
0x8f: {  	_ = 	snop  }
0x90: {  	s2 =	sld [smem:$0x3FC9]  }
0x91: {  	s19 =	sld [smem:$0x3FC8]  }
0x92: {  	s4 =	sld [smem:$0x3FD0];
	(tm) =	ssettm $0x1  }
0x93: {  	s5 =	sld [smem:$0x3FFB];
	_ =	sdelay $0x3  }
0x94: {  	_ =	strace s5  }
0x95: {  	s5 =	sld [smem:$0x3FFC];
	_ =	sdelay $0x3  }
0x96: {  	_ =	strace s5  }
0x97: {  	s5 =	sld [smem:$0x3FFD];
	_ =	sdelay $0x3  }
0x98: {  	_ =	strace s5  }
0x99: {  	_ =	strace $0x8FFFFFFF  }
0x9a: {  	s20 =	sld [smem:$0x3FDB];
	_ =	sdelay $0x1  }
0x9b: {  	s6 =	simm.s32 $_scs_section_size  }
0x9c: {  	s7 =	simm.s32 $_size__tile_overlayer_lowered;
	s8 =	simm.s32 $_tile_overlayer_lowered  }
0x9d: {  	s23 =	simm.s32 $0x1BFF;
	s22 =	sshll.u32 s8, $0x1;
	s5 =	sadd.s32 s6, s20  }
0x9e: {  	s9 =	simm.s32 $0x0;
	s21 =	sshll.u32 s7, $0x1;
	s7 =	sadd.s32 s22, s5  }
0x9f: {  	[timem:s9], [sflag:s23] =	dma.local [hbm:s7], s21  }
0xa0: {  	_ =	swait.ge [sflag:s23], s21  }
0xa1: {  	s6 =	ssub.s32 $0x0, s21;
	[sflag:s23] =	ssyncset.done $0x0  }
0xa2: {  	[sflag:s23] =	ssyncadd.s32 s6;
	_ =	sdelay $0x1  }
0xa3: {  	s24 =	simm.s32 $0x1B8B  }
0xa4: {  	_ =	swait.ge [sflag:s24], $0x1  }
0xa5: {  	[sflag:s24] =	ssyncset.done $0x0  }
0xa6: {  	s25 =	simm.s32 $0x1B8E;
	[sflag:s24] =	ssyncadd.s32 $0xFFFFFFFF  }
0xa7: {  	s26 =	simm.s32 $execute0_lowered;
	[smem:$0x3FD2] =	sst s25  }
0xa8: {  	s6 =	sshll.u32 s26, $0x1;
	_ =	strace $0x80000046;
	[dreg:$0x1] =	wrdreg $0xFFFFFFFF  }
0xa9: {  	s28 =	simm.s32 $_size_execute0_lowered;
	s5 =	sadd.s32 s5, s6;
	[dreg:$0x0] =	wrdreg $0x0  }
0xaa: {  	s6 =	sshll.u32 s28, $0x1;
	[dreg:$0x2] =	wrdreg s5  }
0xab: {  	[dreg:$0x3] =	wrdreg s6  }
0xac: {  	[dreg:$0x4] =	wrdreg $0xC0  }
0xad: {  	_ =	task [dreg:s9], $0x5FFFF  }
0xae: {  	[dreg:$0x1] =	wrdreg $0xFFFFFFFF  }
0xaf: {  	[dreg:$0x0] =	wrdreg $0x60  }
0xb0: {  	[dreg:$0x2] =	wrdreg s2  }
0xb1: {  	[dreg:$0x3] =	wrdreg s19  }
0xb2: {  	[dreg:$0x4] =	wrdreg s4  }
0xb3: {  	[dreg:$0x5] =	wrdreg $0x6A000  }
0xb4: {  	[dreg:$0x6] =	wrdreg $0x9  }
0xb5: {  	_ =	task.clear_ibuf [dreg:s9], $0x7FFFF;
	_ =	strace $0x90000046  }
0xb6: {  	s29 =	simm.s32 $0x9;
	_ =	strace $0x80000048  }
0xb7: {  	_ =	swait.ge [sflag:s29], $0x1  }
0xb8: {  	[sflag:s29] =	ssyncadd.s32 $0xFFFFFFFF  }
0xb9: {  	_ =	strace $0x90000048  }
0xba: {  	_ =	sfence  }
0xbb: {  	s30 =	sld [smem:$0x0];
	_ =	sdelay $0x2  }
0xbc: {  	s31 =	sshll.u32 s1, $0xD;
	s1 =	sshrl.u32 s1, $0x2  }
0xbd: {  	s3 =	sand.u32 $0x4000, s31;
	s1 =	sadd.s32 s1, s30  }
0xbe: {  	s0 =	sor.u32 s3, s0;
	s1 =	sshll.u32 s1, $0x11  }
0xbf: {  	s0 =	sor.u32 s1, s0  }
0xc0: {  	s0 =	sadd.s32 $0x8F2B, s0  }
0xc1: {  	[sflag:s0] =	ssyncadd.remote.s32 $0x1  }
0xc2: {  	_ =	sfence.sel $0xFFFF  }
0xc3: {  	[dreg:$0x0] =	wrdreg $0xFFFFFFFF;
	(pc) =	sbr.abs _section_cstart, $3  }
0xc4: {  	[dreg:$0x1] =	wrdreg $0xFFFFFFFF  }
0xc5: {  	_ =	task.clear_ibuf [dreg:s9], $0x2FFFF;
	_ =	strace $0x9FFFFFFF  }
0xc6: {  	(tm) =	ssettm $0x7FFFFFFF  }
0xc7: {  	_ =	shalt  }
tec
execute0_lowered:
.L_overlay_start_1:
0x0: {  	(tag) =	ssettag $0x1  }
0x1: {  	s0 =	rddreg [dreg:$0x0]  }
0x2: {  	s1 =	rddreg [dreg:$0x1]  }
0x3: {  	s5 =	rddreg [dreg:$0x2]  }
0x4: {  	s2 =	rddreg [dreg:$0x3]  }
0x5: {  	s4 =	srdreg.scid;
	s3 =	simm.s32 $0x0;
	s10 =	stileid.u32  }
0x6: {  	s28 =	simm.s32 $0x15E40;
	s29 =	simm.s32 $0x2;
	s30 =	simm.s32 $0x17CC0  }
0x7: {  	s31 =	simm.s32 $0x3;
	s4 =	sand.u32 $0x1, s4;
	[smem:$0x7FF] =	sst s3  }
0x8: {  	s7 =	sshll.u32 s10, $0x1;
	s9 =	smul.u32 $0xF400, s10;
	p0 =	sne.s32 s10, $0xF  }
0x9: {  	s6 =	ssub.s32 $0x2, s4;
	s7 =	sor.u32 s4, s7;
	_ =	strace $0x80000047  }
0xa: {  	s8 =	sshrl.u32 s6, $0x1;
	s4 =	sshll.u32 s7, $0x9;
	s16 =	sshrl.u32 s9, $0x3  }
0xb: {  	s17 =	sadd.s32 $0x1E80, s9;
	s11 =	sadd.s32 $0x3D00, s9;
	s13 =	sadd.s32 $0x5B80, s9  }
0xc: {  	s12 =	sadd.s32 s9, s2;
	s21 =	sadd.s32 $0x7A00, s9;
	s24 =	sadd.s32 $0xB700, s9  }
0xd: {  	s26 =	sshll.u32 s7, $0x6;
	s6 =	ssub.s32 s6, s8;
	s4 =	sadd.s32 s0, s4  }
0xe: {  	s0 =	sadd.s32 s1, s16;
	s18 =	sshrl.u32 s17, $0x3;
	s19 =	sshrl.u32 s11, $0x3  }
0xf: {  	[dreg:$0x7] =	wrdreg s12;
	s20 =	sshrl.u32 s13, $0x3;
	s8 =	sadd.s32 s17, s2  }
0x10: {  	s11 =	sadd.s32 s11, s2;
	s22 =	sshrl.u32 s21, $0x3;
	s17 =	sadd.s32 $0x9880, s9  }
0x11: {  	s13 =	sadd.s32 s13, s2;
	s9 =	sadd.s32 $0xD580, s9;
	s15 =	sadd.s32 s21, s2  }
0x12: {  	s25 =	sshrl.u32 s24, $0x3;
	s21 =	sadd.s32 $0x1E800, s1;
	[dreg:$0x5] =	wrdreg s0  }
0x13: {  	s0 =	sadd.s32 s1, s18;
	[dreg:$0x9] =	wrdreg s8;
	s12 =	sadd.s32 s1, s22  }
0x14: {  	s23 =	sshrl.u32 s17, $0x3;
	s18 =	sshrl.u32 s9, $0x3;
	s16 =	sadd.s32 s1, s25  }
0x15: {  	s17 =	sadd.s32 s17, s2;
	s22 =	sadd.s32 $0xF4000, s2;
	s25 =	simm.s32 $0x80  }
0x16: {  	[dreg:$0x6] =	wrdreg s0;
	s0 =	sadd.s32 s1, s19;
	s14 =	sadd.s32 s1, s23  }
0x17: {  	s18 =	sadd.s32 s1, s18;
	s19 =	sadd.s32 s24, s2;
	s23 =	sadd.s32 s5, s26  }
0x18: {  	s24 =	smax.u32 s6, $0x1;
	s26 =	simm.s32 $0x400;
	s5 =	simm.s32 $0x0  }
0x19: {  	[dreg:$0x8] =	wrdreg s0;
	s0 =	sadd.s32 s1, s20;
	s20 =	sadd.s32 s9, s2  }
0x1a: {  	s1 =	simm.s32 $0x200;
	[dreg:$0xa] =	wrdreg s0;
	s0 =	simm.s32 $0x1  }
.LBB2_1:
0x1b: {  	s7 =	sand.u32 $0xC000, s3  }
0x1c: {  	s6 =	simm.s32 $0x800;
	s9 =	sand.u32 $0x70, s3;
	s7 =	sadd.s32 s7, s4  }
0x1d: {  	s8 =	simm.s32 $0x0;
	s9 =	sadd.s32 s9, s7;
	s7 =	simm.s32 $0x10  }
.LBB2_2:
0x1e: {  	[tilespmem:s8], [sflag:$0x1] =	stream.strided.gather [hbm4b:s9+s25], $0x200, s26, s25, $0x38;
	[tilespmem:$0x19B40] =	vst v63  }
0x1f: {  	s8 =	smov.u32 s6;
	p1 =	sne.s32 s6, $0xC800  }
.Ltmp0:
0x20: {  	s6 =	sadd.s32 $0x800, s6;
	(pc) =	sbr.rel @p1 .LBB2_2-.Ltmp0, $4  }
0x21: {  	_ = 	snop  }
0x22: {  	s9 =	sand.u32 $0xC000, s8  }
0x23: {  	s10 =	sand.u32 $0x70, s7;
	s9 =	sadd.s32 s9, s4  }
0x24: {  	s7 =	sadd.s32 $0x10, s7;
	s8 =	sshra.s32 s8, $0x2;
	s9 =	sadd.s32 s10, s9  }
0x25: {  	[tilespmem:s8], [sflag:$0x1] =	stream.strided.gather [hbm4b:s9+s25], $0x200, s26, s25, $0x38;
	[tilespmem:$0x19B40] =	vst v63  }
0x26: {  	s6 =	rddreg [dreg:$0x5]  }
0x27: {  	[tilespmem:s28], [sflag:$0x2] =	stream.linear.gather [hbm4b:s6+s3], $0x1E80, $0x38;
	[tilespmem:$0x19B40] =	vst v63  }
0x28: {  	_ =	swait.ge [sflag:s29], $0x1E80  }
0x29: {  	[sflag:s29] =	ssyncset.done $0x0  }
0x2a: {  	s8 =	rddreg [dreg:$0x6];
	[sflag:s29] =	ssyncadd.s32 $0xFFFFE180  }
0x2b: {  	[tilespmem:s30], [sflag:$0x2] =	stream.linear.gather [hbm4b:s8+s3], $0x1E80, $0x38;
	[tilespmem:$0x19B40] =	vst v63  }
0x2c: {  	s9 =	rddreg [dreg:$0x7]  }
0x2d: {  	[spmem:s9] =	stream.linear.scatter [tilespmem:s28], [sflag:$0x3], $0x1E80, $0x38;
	[tilespmem:$0x19B40] =	vst v63  }
0x2e: {  	_ =	swait.ge [sflag:s31], $0x1E80  }
0x2f: {  	[sflag:s31] =	ssyncset.done $0x0  }
0x30: {  	[sflag:s31] =	ssyncadd.s32 $0xFFFFE180  }
0x31: {  	_ =	swait.ge [sflag:s29], $0x1E80  }
0x32: {  	[sflag:s29] =	ssyncset.done $0x0  }
0x33: {  	s10 =	rddreg [dreg:$0x8];
	[sflag:s29] =	ssyncadd.s32 $0xFFFFE180  }
0x34: {  	[tilespmem:s28], [sflag:$0x2] =	stream.linear.gather [hbm4b:s10+s3], $0x1E80, $0x38;
	[tilespmem:$0x19B40] =	vst v63  }
0x35: {  	s7 =	rddreg [dreg:$0x9]  }
0x36: {  	[spmem:s7] =	stream.linear.scatter [tilespmem:s30], [sflag:$0x3], $0x1E80, $0x38;
	[tilespmem:$0x19B40] =	vst v63  }
0x37: {  	_ =	swait.ge [sflag:s31], $0x1E80  }
0x38: {  	[sflag:s31] =	ssyncset.done $0x0  }
0x39: {  	[sflag:s31] =	ssyncadd.s32 $0xFFFFE180  }
0x3a: {  	_ =	swait.ge [sflag:s29], $0x1E80  }
0x3b: {  	[sflag:s29] =	ssyncset.done $0x0  }
0x3c: {  	s8 =	rddreg [dreg:$0xa];
	[sflag:s29] =	ssyncadd.s32 $0xFFFFE180  }
0x3d: {  	[tilespmem:s30], [sflag:$0x2] =	stream.linear.gather [hbm4b:s8+s3], $0x1E80, $0x38;
	[tilespmem:$0x19B40] =	vst v63  }
0x3e: {  	_ = 	snop  }
0x3f: {  	[spmem:s11] =	stream.linear.scatter [tilespmem:s28], [sflag:$0x3], $0x1E80, $0x38;
	[tilespmem:$0x19B40] =	vst v63  }
0x40: {  	_ =	swait.ge [sflag:s31], $0x1E80  }
0x41: {  	[sflag:s31] =	ssyncset.done $0x0  }
0x42: {  	[sflag:s31] =	ssyncadd.s32 $0xFFFFE180  }
0x43: {  	_ =	swait.ge [sflag:s29], $0x1E80  }
0x44: {  	[sflag:s29] =	ssyncset.done $0x0  }
0x45: {  	[sflag:s29] =	ssyncadd.s32 $0xFFFFE180  }
0x46: {  	[tilespmem:s28], [sflag:$0x2] =	stream.linear.gather [hbm4b:s12+s3], $0x1E80, $0x38;
	[tilespmem:$0x19B40] =	vst v63  }
0x47: {  	_ = 	snop  }
0x48: {  	[spmem:s13] =	stream.linear.scatter [tilespmem:s30], [sflag:$0x3], $0x1E80, $0x38;
	[tilespmem:$0x19B40] =	vst v63  }
0x49: {  	_ =	swait.ge [sflag:s31], $0x1E80  }
0x4a: {  	[sflag:s31] =	ssyncset.done $0x0  }
0x4b: {  	[sflag:s31] =	ssyncadd.s32 $0xFFFFE180  }
0x4c: {  	_ =	swait.ge [sflag:s29], $0x1E80  }
0x4d: {  	[sflag:s29] =	ssyncset.done $0x0  }
0x4e: {  	[sflag:s29] =	ssyncadd.s32 $0xFFFFE180  }
0x4f: {  	[tilespmem:s30], [sflag:$0x2] =	stream.linear.gather [hbm4b:s14+s3], $0x1E80, $0x38;
	[tilespmem:$0x19B40] =	vst v63  }
0x50: {  	_ = 	snop  }
0x51: {  	[spmem:s15] =	stream.linear.scatter [tilespmem:s28], [sflag:$0x3], $0x1E80, $0x38;
	[tilespmem:$0x19B40] =	vst v63  }
0x52: {  	_ =	swait.ge [sflag:s31], $0x1E80  }
0x53: {  	[sflag:s31] =	ssyncset.done $0x0  }
0x54: {  	[sflag:s31] =	ssyncadd.s32 $0xFFFFE180  }
0x55: {  	_ =	swait.ge [sflag:s29], $0x1E80  }
0x56: {  	[sflag:s29] =	ssyncset.done $0x0  }
0x57: {  	[sflag:s29] =	ssyncadd.s32 $0xFFFFE180  }
0x58: {  	[tilespmem:s28], [sflag:$0x2] =	stream.linear.gather [hbm4b:s16+s3], $0x1E80, $0x38;
	[tilespmem:$0x19B40] =	vst v63  }
0x59: {  	_ = 	snop  }
0x5a: {  	[spmem:s17] =	stream.linear.scatter [tilespmem:s30], [sflag:$0x3], $0x1E80, $0x38;
	[tilespmem:$0x19B40] =	vst v63  }
0x5b: {  	_ =	swait.ge [sflag:s31], $0x1E80  }
0x5c: {  	[sflag:s31] =	ssyncset.done $0x0  }
0x5d: {  	[sflag:s31] =	ssyncadd.s32 $0xFFFFE180  }
0x5e: {  	_ =	swait.ge [sflag:s29], $0x1E80  }
0x5f: {  	[sflag:s29] =	ssyncset.done $0x0  }
0x60: {  	[sflag:s29] =	ssyncadd.s32 $0xFFFFE180  }
0x61: {  	[tilespmem:s30], [sflag:$0x2] =	stream.linear.gather [hbm4b:s18+s3], $0x1E80, $0x38;
	[tilespmem:$0x19B40] =	vst v63  }
0x62: {  	_ = 	snop  }
0x63: {  	[spmem:s19] =	stream.linear.scatter [tilespmem:s28], [sflag:$0x3], $0x1E80, $0x38;
	[tilespmem:$0x19B40] =	vst v63  }
0x64: {  	_ =	swait.ge [sflag:s31], $0x1E80  }
0x65: {  	[sflag:s31] =	ssyncset.done $0x0  }
0x66: {  	[sflag:s31] =	ssyncadd.s32 $0xFFFFE180  }
0x67: {  	_ =	swait.ge [sflag:s29], $0x1E80  }
0x68: {  	[sflag:s29] =	ssyncset.done $0x0  }
0x69: {  	[sflag:s29] =	ssyncadd.s32 $0xFFFFE180  }
0x6a: {  	[spmem:s20] =	stream.linear.scatter [tilespmem:s30], [sflag:$0x3], $0x1E80, $0x38;
	[tilespmem:$0x19B40] =	vst v63  }
0x6b: {  	_ =	swait.ge [sflag:s31], $0x1E80  }
0x6c: {  	[sflag:s31] =	ssyncset.done $0x0  }
0x6d: {  	s6 =	simm.s32 @!p0 $0x0;
	s7 =	simm.s32 @!p0 $0x15E40;
	[sflag:s31] =	ssyncadd.s32 $0xFFFFE180  }
0x6e: {  	[tilespmem:s7], [sflag:$0x3] =	stream.linear.gather @!p0 [hbm4b:s21+s6], $0x240, $0x38;
	[tilespmem:$0x19B40] =	vst v63  }
0x6f: {  	s6 =	simm.s32 @!p0 $0x3  }
0x70: {  	_ =	swait.ge @!p0 [sflag:s6], $0x240  }
0x71: {  	[sflag:s6] =	ssyncset.done @!p0 $0x0  }
0x72: {  	[sflag:s6] =	ssyncadd.s32 @!p0 $0xFFFFFDC0  }
0x73: {  	[spmem:s22] =	stream.linear.scatter @!p0 [tilespmem:s7], [sflag:$0x3], $0x240, $0x38;
	[tilespmem:$0x19B40] =	vst v63  }
0x74: {  	_ =	swait.ge @!p0 [sflag:s6], $0x240  }
0x75: {  	[sflag:s6] =	ssyncset.done @!p0 $0x0  }
0x76: {  	[sflag:s6] =	ssyncadd.s32 @!p0 $0xFFFFFDC0  }
0x77: {  	_ =	swait.ge [sflag:s0], $0x3400  }
0x78: {  	[sflag:s0] =	ssyncset.done $0x0  }
0x79: {  	[sflag:s0] =	ssyncadd.s32 $0xFFFFCC00  }
0x7a: {  	s7 =	simm.s32 $0x3400;
	s6 =	simm.s32 $0x0;
	[bflag:$0x0] =	sbarrier.arrive $0xFFFF  }
0x7b: {  	[tilespmem:s7], [sflag:$0x1] =	stream.indirect.gather [spmem:s2], $0x1, s6, s1, $0xb8;
	[tilespmem:$0x19B40] =	vst v63  }
0x7c: {  	s9 =	simm.s32 $0x3600  }
0x7d: {  	[tilespmem:s9], [sflag:$0x1] =	stream.indirect.gather [spmem:s2], $0x1, s1, s1, $0xb8;
	[tilespmem:$0x19B40] =	vst v63  }
0x7e: {  	s10 =	simm.s32 $0x3800  }
0x7f: {  	[tilespmem:s10], [sflag:$0x1] =	stream.indirect.gather [spmem:s2], $0x1, s26, s1, $0xb8;
	[tilespmem:$0x19B40] =	vst v63  }
0x80: {  	s9 =	simm.s32 $0x600;
	s10 =	simm.s32 $0x3A00  }
0x81: {  	[tilespmem:s10], [sflag:$0x1] =	stream.indirect.gather [spmem:s2], $0x1, s9, s1, $0xb8;
	[tilespmem:$0x19B40] =	vst v63  }
0x82: {  	s9 =	simm.s32 $0x800;
	s10 =	simm.s32 $0x3C00  }
0x83: {  	[tilespmem:s10], [sflag:$0x1] =	stream.indirect.gather [spmem:s2], $0x1, s9, s1, $0xb8;
	[tilespmem:$0x19B40] =	vst v63  }
0x84: {  	s9 =	simm.s32 $0xA00;
	s10 =	simm.s32 $0x3E00  }
0x85: {  	[tilespmem:s10], [sflag:$0x1] =	stream.indirect.gather [spmem:s2], $0x1, s9, s1, $0xb8;
	[tilespmem:$0x19B40] =	vst v63  }
0x86: {  	s9 =	simm.s32 $0xC00;
	s10 =	simm.s32 $0x4000  }
0x87: {  	[tilespmem:s10], [sflag:$0x1] =	stream.indirect.gather [spmem:s2], $0x1, s9, s1, $0xb8;
	[tilespmem:$0x19B40] =	vst v63  }
0x88: {  	s9 =	simm.s32 $0xE00;
	s10 =	simm.s32 $0x4200  }
0x89: {  	[tilespmem:s10], [sflag:$0x1] =	stream.indirect.gather [spmem:s2], $0x1, s9, s1, $0xb8;
	[tilespmem:$0x19B40] =	vst v63  }
0x8a: {  	s9 =	simm.s32 $0x1000;
	s10 =	simm.s32 $0x4400  }
0x8b: {  	[tilespmem:s10], [sflag:$0x1] =	stream.indirect.gather [spmem:s2], $0x1, s9, s1, $0xb8;
	[tilespmem:$0x19B40] =	vst v63  }
0x8c: {  	s9 =	simm.s32 $0x1200;
	s10 =	simm.s32 $0x4600  }
0x8d: {  	[tilespmem:s10], [sflag:$0x1] =	stream.indirect.gather [spmem:s2], $0x1, s9, s1, $0xb8;
	[tilespmem:$0x19B40] =	vst v63  }
0x8e: {  	s9 =	simm.s32 $0x1400;
	s10 =	simm.s32 $0x4800  }
0x8f: {  	[tilespmem:s10], [sflag:$0x1] =	stream.indirect.gather [spmem:s2], $0x1, s9, s1, $0xb8;
	[tilespmem:$0x19B40] =	vst v63  }
0x90: {  	s9 =	simm.s32 $0x1600;
	s10 =	simm.s32 $0x4A00  }
0x91: {  	[tilespmem:s10], [sflag:$0x1] =	stream.indirect.gather [spmem:s2], $0x1, s9, s1, $0xb8;
	[tilespmem:$0x19B40] =	vst v63  }
0x92: {  	s9 =	simm.s32 $0x1800;
	s10 =	simm.s32 $0x4C00  }
0x93: {  	[tilespmem:s10], [sflag:$0x1] =	stream.indirect.gather [spmem:s2], $0x1, s9, s1, $0xb8;
	[tilespmem:$0x19B40] =	vst v63  }
0x94: {  	s9 =	simm.s32 $0x1A00;
	s10 =	simm.s32 $0x4E00  }
0x95: {  	[tilespmem:s10], [sflag:$0x1] =	stream.indirect.gather [spmem:s2], $0x1, s9, s1, $0xb8;
	[tilespmem:$0x19B40] =	vst v63  }
0x96: {  	s9 =	simm.s32 $0x1C00;
	s10 =	simm.s32 $0x5000  }
0x97: {  	[tilespmem:s10], [sflag:$0x1] =	stream.indirect.gather [spmem:s2], $0x1, s9, s1, $0xb8;
	[tilespmem:$0x19B40] =	vst v63  }
0x98: {  	s9 =	simm.s32 $0x1E00;
	s10 =	simm.s32 $0x5200  }
0x99: {  	[tilespmem:s10], [sflag:$0x1] =	stream.indirect.gather [spmem:s2], $0x1, s9, s1, $0xb8;
	[tilespmem:$0x19B40] =	vst v63  }
0x9a: {  	s9 =	simm.s32 $0x2000;
	s10 =	simm.s32 $0x5400  }
0x9b: {  	[tilespmem:s10], [sflag:$0x1] =	stream.indirect.gather [spmem:s2], $0x1, s9, s1, $0xb8;
	[tilespmem:$0x19B40] =	vst v63  }
0x9c: {  	s9 =	simm.s32 $0x2200;
	s10 =	simm.s32 $0x5600  }
0x9d: {  	[tilespmem:s10], [sflag:$0x1] =	stream.indirect.gather [spmem:s2], $0x1, s9, s1, $0xb8;
	[tilespmem:$0x19B40] =	vst v63  }
0x9e: {  	s9 =	simm.s32 $0x2400;
	s10 =	simm.s32 $0x5800  }
0x9f: {  	[tilespmem:s10], [sflag:$0x1] =	stream.indirect.gather [spmem:s2], $0x1, s9, s1, $0xb8;
	[tilespmem:$0x19B40] =	vst v63  }
0xa0: {  	s9 =	simm.s32 $0x2600;
	s10 =	simm.s32 $0x5A00  }
0xa1: {  	[tilespmem:s10], [sflag:$0x1] =	stream.indirect.gather [spmem:s2], $0x1, s9, s1, $0xb8;
	[tilespmem:$0x19B40] =	vst v63  }
0xa2: {  	s9 =	simm.s32 $0x2800;
	s10 =	simm.s32 $0x5C00  }
0xa3: {  	[tilespmem:s10], [sflag:$0x1] =	stream.indirect.gather [spmem:s2], $0x1, s9, s1, $0xb8;
	[tilespmem:$0x19B40] =	vst v63  }
0xa4: {  	s9 =	simm.s32 $0x2A00;
	s10 =	simm.s32 $0x5E00  }
0xa5: {  	[tilespmem:s10], [sflag:$0x1] =	stream.indirect.gather [spmem:s2], $0x1, s9, s1, $0xb8;
	[tilespmem:$0x19B40] =	vst v63  }
0xa6: {  	s9 =	simm.s32 $0x2C00;
	s10 =	simm.s32 $0x6000  }
0xa7: {  	[tilespmem:s10], [sflag:$0x1] =	stream.indirect.gather [spmem:s2], $0x1, s9, s1, $0xb8;
	[tilespmem:$0x19B40] =	vst v63  }
0xa8: {  	s9 =	simm.s32 $0x2E00;
	s10 =	simm.s32 $0x6200  }
0xa9: {  	[tilespmem:s10], [sflag:$0x1] =	stream.indirect.gather [spmem:s2], $0x1, s9, s1, $0xb8;
	[tilespmem:$0x19B40] =	vst v63  }
0xaa: {  	s9 =	simm.s32 $0x3000;
	s10 =	simm.s32 $0x6400  }
0xab: {  	[tilespmem:s10], [sflag:$0x1] =	stream.indirect.gather [spmem:s2], $0x1, s9, s1, $0xb8;
	[tilespmem:$0x19B40] =	vst v63  }
0xac: {  	s9 =	simm.s32 $0x3200;
	s10 =	simm.s32 $0x6600  }
0xad: {  	[tilespmem:s10], [sflag:$0x1] =	stream.indirect.gather [spmem:s2], $0x1, s9, s1, $0xb8;
	[tilespmem:$0x19B40] =	vst v63  }
0xae: {  	_ =	swait.ge [sflag:s0], $0x3400  }
0xaf: {  	[sflag:s0] =	ssyncset.done $0x0  }
0xb0: {  	s6 =	sand.u32 $0x1F0, s6;
	[sflag:s0] =	ssyncadd.s32 $0xFFFFCC00  }
0xb1: {  	v0 =	vld [tilespmem:s6+$0x3600]  }
0xb2: {  	v1 =	vld [tilespmem:s7+$0x0];
	_ =	sdelay $0x1  }
0xb3: {  	v2 =	vld [tilespmem:s6+$0x3800];
	_ =	sdelay $0x1  }
0xb4: {  	v3 =	vld [tilespmem:s6+$0x3A00]  }
0xb5: {  	v0 =	vadd.f32 v0, v1  }
0xb6: {  	v1 =	vld [tilespmem:s6+$0x3C00]  }
0xb7: {  	v0 =	vadd.f32 v2, v0  }
0xb8: {  	v2 =	vld [tilespmem:s6+$0x3E00]  }
0xb9: {  	v0 =	vadd.f32 v3, v0  }
0xba: {  	v3 =	vld [tilespmem:s6+$0x4000]  }
0xbb: {  	v0 =	vadd.f32 v1, v0  }
0xbc: {  	v1 =	vld [tilespmem:s6+$0x4200]  }
0xbd: {  	v0 =	vadd.f32 v2, v0  }
0xbe: {  	v2 =	vld [tilespmem:s6+$0x4400]  }
0xbf: {  	v0 =	vadd.f32 v3, v0  }
0xc0: {  	v3 =	vld [tilespmem:s6+$0x4600]  }
0xc1: {  	v0 =	vadd.f32 v1, v0  }
0xc2: {  	v1 =	vld [tilespmem:s6+$0x4800]  }
0xc3: {  	v0 =	vadd.f32 v2, v0  }
0xc4: {  	v2 =	vld [tilespmem:s6+$0x4A00]  }
0xc5: {  	v0 =	vadd.f32 v3, v0  }
0xc6: {  	v3 =	vld [tilespmem:s6+$0x4C00]  }
0xc7: {  	v0 =	vadd.f32 v1, v0  }
0xc8: {  	v1 =	vld [tilespmem:s6+$0x4E00]  }
0xc9: {  	v0 =	vadd.f32 v2, v0  }
0xca: {  	v2 =	vld [tilespmem:s6+$0x5000]  }
0xcb: {  	v0 =	vadd.f32 v3, v0  }
0xcc: {  	v3 =	vld [tilespmem:s6+$0x5200]  }
0xcd: {  	v0 =	vadd.f32 v1, v0  }
0xce: {  	v1 =	vld [tilespmem:s6+$0x5400]  }
0xcf: {  	v0 =	vadd.f32 v2, v0  }
0xd0: {  	v2 =	vld [tilespmem:s6+$0x5600]  }
0xd1: {  	v0 =	vadd.f32 v3, v0  }
0xd2: {  	v3 =	vld [tilespmem:s6+$0x5800]  }
0xd3: {  	v0 =	vadd.f32 v1, v0  }
0xd4: {  	v1 =	vld [tilespmem:s6+$0x5A00]  }
0xd5: {  	v0 =	vadd.f32 v2, v0  }
0xd6: {  	v2 =	vld [tilespmem:s6+$0x5C00]  }
0xd7: {  	v0 =	vadd.f32 v3, v0  }
0xd8: {  	v3 =	vld [tilespmem:s6+$0x5E00]  }
0xd9: {  	v0 =	vadd.f32 v1, v0  }
0xda: {  	v1 =	vld [tilespmem:s6+$0x6000]  }
0xdb: {  	v0 =	vadd.f32 v2, v0  }
0xdc: {  	v2 =	vld [tilespmem:s6+$0x6200]  }
0xdd: {  	v0 =	vadd.f32 v3, v0  }
0xde: {  	v3 =	vld [tilespmem:s6+$0x6400]  }
0xdf: {  	v0 =	vadd.f32 v1, v0  }
0xe0: {  	v1 =	vld [tilespmem:s6+$0x6600]  }
0xe1: {  	v0 =	vadd.f32 v2, v0;
	_ =	sdelay $0x1  }
0xe2: {  	v0 =	vadd.f32 v3, v0;
	_ =	sdelay $0x1  }
0xe3: {  	v0 =	vadd.f32 v1, v0  }
0xe4: {  	s10 =	simm.s32 $0x10;
	s6 =	simm.s32 $0x6800  }
0xe5: {  	s7 =	sand.u32 $0x1F0, s10;
	[tilespmem:s6+$0x0] =	vst v0  }
0xe6: {  	s8 =	simm.s32 $0x3410;
	s9 =	simm.s32 $0x20;
	v0 =	vld [tilespmem:s7+$0x3600]  }
.LBB2_4:
0xe7: {  	p1 =	sne.s32 s9, $0x1F0;
	v1 =	vld [tilespmem:s8+$0x0];
	_ =	sdelay $0x1  }
0xe8: {  	v2 =	vld [tilespmem:s7+$0x3800];
	_ =	sdelay $0x1  }
0xe9: {  	v3 =	vld [tilespmem:s7+$0x3A00]  }
0xea: {  	v0 =	vadd.f32 v0, v1  }
0xeb: {  	v1 =	vld [tilespmem:s7+$0x3C00]  }
0xec: {  	v0 =	vadd.f32 v2, v0  }
0xed: {  	v2 =	vld [tilespmem:s7+$0x3E00]  }
0xee: {  	v0 =	vadd.f32 v3, v0  }
0xef: {  	v3 =	vld [tilespmem:s7+$0x4000]  }
0xf0: {  	v0 =	vadd.f32 v1, v0  }
0xf1: {  	v1 =	vld [tilespmem:s7+$0x4200]  }
0xf2: {  	v0 =	vadd.f32 v2, v0  }
0xf3: {  	v2 =	vld [tilespmem:s7+$0x4400]  }
0xf4: {  	v0 =	vadd.f32 v3, v0  }
0xf5: {  	v3 =	vld [tilespmem:s7+$0x4600]  }
0xf6: {  	v0 =	vadd.f32 v1, v0  }
0xf7: {  	v1 =	vld [tilespmem:s7+$0x4800]  }
0xf8: {  	v0 =	vadd.f32 v2, v0  }
0xf9: {  	v2 =	vld [tilespmem:s7+$0x4A00]  }
0xfa: {  	v0 =	vadd.f32 v3, v0  }
0xfb: {  	v3 =	vld [tilespmem:s7+$0x4C00]  }
0xfc: {  	v0 =	vadd.f32 v1, v0  }
0xfd: {  	v1 =	vld [tilespmem:s7+$0x4E00]  }
0xfe: {  	v0 =	vadd.f32 v2, v0  }
0xff: {  	v2 =	vld [tilespmem:s7+$0x5000]  }
0x100: {  	v0 =	vadd.f32 v3, v0  }
0x101: {  	v3 =	vld [tilespmem:s7+$0x5200]  }
0x102: {  	v0 =	vadd.f32 v1, v0  }
0x103: {  	v1 =	vld [tilespmem:s7+$0x5400]  }
0x104: {  	v0 =	vadd.f32 v2, v0  }
0x105: {  	v2 =	vld [tilespmem:s7+$0x5600]  }
0x106: {  	v0 =	vadd.f32 v3, v0  }
0x107: {  	v3 =	vld [tilespmem:s7+$0x5800]  }
0x108: {  	v0 =	vadd.f32 v1, v0  }
0x109: {  	v1 =	vld [tilespmem:s7+$0x5A00]  }
0x10a: {  	v0 =	vadd.f32 v2, v0  }
0x10b: {  	v2 =	vld [tilespmem:s7+$0x5C00]  }
0x10c: {  	v0 =	vadd.f32 v3, v0  }
0x10d: {  	v3 =	vld [tilespmem:s7+$0x5E00]  }
0x10e: {  	v0 =	vadd.f32 v1, v0  }
0x10f: {  	v1 =	vld [tilespmem:s7+$0x6000]  }
0x110: {  	v0 =	vadd.f32 v2, v0  }
0x111: {  	v2 =	vld [tilespmem:s7+$0x6200]  }
0x112: {  	v0 =	vadd.f32 v3, v0  }
0x113: {  	v3 =	vld [tilespmem:s7+$0x6400]  }
0x114: {  	v0 =	vadd.f32 v1, v0  }
0x115: {  	v1 =	vld [tilespmem:s7+$0x6600]  }
0x116: {  	v0 =	vadd.f32 v2, v0;
	_ =	sdelay $0x1  }
0x117: {  	v0 =	vadd.f32 v3, v0  }
.Ltmp1:
0x118: {  	(pc) =	sbr.rel @p1 .LBB2_4-.Ltmp1, $4  }
0x119: {  	v0 =	vadd.f32 v1, v0  }
0x11a: {  	s6 =	sadd.s32 $0x10, s6  }
0x11b: {  	s7 =	sand.u32 $0x1F0, s9;
	[tilespmem:s6+$0x0] =	vst v0  }
0x11c: {  	s8 =	sadd.s32 $0x10, s8;
	s9 =	sadd.s32 $0x10, s9;
	v0 =	vld [tilespmem:s7+$0x3600]  }
0x11d: {  	v1 =	vld [tilespmem:s8+$0x0];
	_ =	sdelay $0x1  }
0x11e: {  	v2 =	vld [tilespmem:s7+$0x3800];
	_ =	sdelay $0x1  }
0x11f: {  	v3 =	vld [tilespmem:s7+$0x3A00]  }
0x120: {  	v0 =	vadd.f32 v0, v1  }
0x121: {  	v42 =	vld [tilespmem:s7+$0x3C00]  }
0x122: {  	v0 =	vadd.f32 v2, v0  }
0x123: {  	v43 =	vld [tilespmem:s7+$0x3E00]  }
0x124: {  	v0 =	vadd.f32 v3, v0  }
0x125: {  	v44 =	vld [tilespmem:s7+$0x4000]  }
0x126: {  	v0 =	vadd.f32 v42, v0  }
0x127: {  	v45 =	vld [tilespmem:s7+$0x4200]  }
0x128: {  	v0 =	vadd.f32 v43, v0  }
0x129: {  	v46 =	vld [tilespmem:s7+$0x4400]  }
0x12a: {  	v0 =	vadd.f32 v44, v0  }
0x12b: {  	v47 =	vld [tilespmem:s7+$0x4600]  }
0x12c: {  	v0 =	vadd.f32 v45, v0  }
0x12d: {  	v48 =	vld [tilespmem:s7+$0x4800]  }
0x12e: {  	v0 =	vadd.f32 v46, v0  }
0x12f: {  	v49 =	vld [tilespmem:s7+$0x4A00]  }
0x130: {  	v0 =	vadd.f32 v47, v0  }
0x131: {  	v50 =	vld [tilespmem:s7+$0x4C00]  }
0x132: {  	v0 =	vadd.f32 v48, v0  }
0x133: {  	v51 =	vld [tilespmem:s7+$0x4E00]  }
0x134: {  	v0 =	vadd.f32 v49, v0  }
0x135: {  	v52 =	vld [tilespmem:s7+$0x5000]  }
0x136: {  	v0 =	vadd.f32 v50, v0  }
0x137: {  	v53 =	vld [tilespmem:s7+$0x5200]  }
0x138: {  	v0 =	vadd.f32 v51, v0  }
0x139: {  	v54 =	vld [tilespmem:s7+$0x5400]  }
0x13a: {  	v0 =	vadd.f32 v52, v0  }
0x13b: {  	v55 =	vld [tilespmem:s7+$0x5600]  }
0x13c: {  	v0 =	vadd.f32 v53, v0  }
0x13d: {  	v56 =	vld [tilespmem:s7+$0x5800]  }
0x13e: {  	v0 =	vadd.f32 v54, v0  }
0x13f: {  	v57 =	vld [tilespmem:s7+$0x5A00]  }
0x140: {  	v0 =	vadd.f32 v55, v0  }
0x141: {  	v58 =	vld [tilespmem:s7+$0x5C00]  }
0x142: {  	v0 =	vadd.f32 v56, v0  }
0x143: {  	v59 =	vld [tilespmem:s7+$0x5E00]  }
0x144: {  	v0 =	vadd.f32 v57, v0  }
0x145: {  	v60 =	vld [tilespmem:s7+$0x6000]  }
0x146: {  	v0 =	vadd.f32 v58, v0  }
0x147: {  	v61 =	vld [tilespmem:s7+$0x6200]  }
0x148: {  	v0 =	vadd.f32 v59, v0  }
0x149: {  	v62 =	vld [tilespmem:s7+$0x6400]  }
0x14a: {  	v0 =	vadd.f32 v60, v0  }
0x14b: {  	v63 =	vld [tilespmem:s7+$0x6600]  }
0x14c: {  	v0 =	vadd.f32 v61, v0;
	_ =	sdelay $0x1  }
0x14d: {  	v0 =	vadd.f32 v62, v0;
	_ =	sdelay $0x1  }
0x14e: {  	s5 =	sadd.s32 $0x1, s5;
	v0 =	vadd.f32 v63, v0  }
0x14f: {  	s6 =	sadd.s32 $0x10, s6;
	p1 =	sne.s32 s5, s24  }
.Ltmp2:
0x150: {  	s10 =	simm.s32 $0x6800;
	[tilespmem:s6+$0x0] =	vst v0;
	(pc) =	sbr.rel @p1 .LBB2_1-.Ltmp2, $4  }
0x151: {  	[hbm4b:s23+s3] =	stream.linear.scatter [tilespmem:s10], [sflag:$0x3], $0x200, $0x38;
	[tilespmem:$0x19B40] =	vst v63  }
0x152: {  	_ =	swait.ge [sflag:s31], $0x200  }
0x153: {  	[sflag:s31] =	ssyncset.done $0x0  }
0x154: {  	[sflag:s31] =	ssyncadd.s32 $0xFFFFFE00  }
0x155: {  	_ =	sfence.sel $0x180000  }
0x156: {  	[bflag:$0x0] =	sbarrier.arrive $0xFFFF  }
0x157: {  	_ =	strace $0x90000047  }
0x158: {  	s0 =	stileid.u32;
	[bflag:$0x2] =	sbarrier.arrive $0xFFFF  }
0x159: {  	p0 =	sne.s32 s0, $0x0;
	s0 =	rddreg [dreg:$0x4]  }
0x15a: {  	s0 =	sadd.s32 @!p0 $0x100000, s0  }
0x15b: {  	[sflag:s0] =	ssyncadd.tile.s32 @!p0 $0x1;
	_ =	shalt  }
.Lfunc_end2:
_tile_overlayer_lowered:
.L_overlay_start_2:
0x15c: {  	(tag) =	ssettag $0x2  }
0x15d: {  	s0 =	rddreg [dreg:$0x0];
	s2 =	stileid.u32  }
0x15e: {  	s1 =	rddreg [dreg:$0x1];
	p0 =	sne.s32 s2, $0x0  }
0x15f: {  	s3 =	rddreg [dreg:$0x2];
	[bflag:$0x3] =	sbarrier.arrive $0xFFFF;
	s2 =	simm.s32 @!p0 $0x1C03  }
0x160: {  	[timem:s3], [sflag:s2] =	dma.local @!p0 [hbm:s0], s1  }
0x161: {  	s0 =	simm.s32 @!p0 $0x3  }
0x162: {  	_ =	swait.ge @!p0 [sflag:s0], s1  }
0x163: {  	s1 =	ssub.s32 @!p0 $0x0, s1;
	[sflag:s0] =	ssyncset.done @!p0 $0x0  }
0x164: {  	[sflag:s0] =	ssyncadd.s32 @!p0 s1  }
0x165: {  	[bflag:$0x3] =	sbarrier.arrive $0xFFFF  }
0x166: {  	_ =	shalt  }

</sc_bundles>
